<compile_context>
chip_gen: v7x
topology: tpu7x:2x2x1
jax: 0.10.2.dev20260603
libtpu: 0.0.44.dev20260713+nightly
codegen_flags: <defaults>
</compile_context>

<pallas_src>
import functools

import jax
import jax.numpy as jnp
from jax import lax
from jax.experimental import pallas as pl
from jax.experimental.pallas import tpu as pltpu
from jax.experimental.pallas import tpu_sc as plsc

D_MODEL = 768
NUM_HEADS = 12


@functools.lru_cache(maxsize=None)
def _make_gather(batch: int, seq: int, D: int):
    info = plsc.get_sparse_core_info()
    NC, NS = info.num_cores, info.num_subcores
    NW = NC * NS
    B = batch * seq
    assert B % NW == 0 and seq % (B // NW) == 0
    b_per_w = B // NW
    w_per_row = seq // b_per_w
    C = 64
    NBUF = 2
    PREF = 2
    n_chunks = b_per_w // C
    mesh = plsc.VectorSubcoreMesh(core_axis_name="c", subcore_axis_name="s")

    @functools.partial(
        pl.kernel,
        mesh=mesh,
        out_type=jax.ShapeDtypeStruct((B, D), jnp.float32),
        scratch_types=[
            pltpu.VMEM((b_per_w,), jnp.int32),
            pltpu.VMEM((NBUF, C, D), jnp.float32),
            pltpu.SemaphoreType.DMA,
            pltpu.SemaphoreType.DMA,
        ],
    )
    def gather_kernel(table_hbm, idx_hbm, out_hbm, idx_v, rows_v, gsem, osem):
        wid = lax.axis_index("s") * NC + lax.axis_index("c")
        base = wid * b_per_w
        row = wid // w_per_row
        col = (wid % w_per_row) * b_per_w
        pltpu.sync_copy(idx_hbm.at[row, pl.ds(col, b_per_w)], idx_v)
        gd = [None] * NBUF
        od = [None] * NBUF
        for c in range(min(PREF, n_chunks)):
            gd[c % NBUF] = pltpu.async_copy(
                table_hbm.at[idx_v.at[pl.ds(c * C, C)]], rows_v.at[c % NBUF], gsem
            )
        for c in range(n_chunks):
            b = c % NBUF
            gd[b].wait()
            od[b] = pltpu.async_copy(
                rows_v.at[b], out_hbm.at[pl.ds(base + c * C, C)], osem
            )
            nxt = c + PREF
            if nxt < n_chunks:
                nb = nxt % NBUF
                if od[nb] is not None:
                    od[nb].wait()
                gd[nb] = pltpu.async_copy(
                    table_hbm.at[idx_v.at[pl.ds(nxt * C, C)]], rows_v.at[nb], gsem
                )
        for c in range(max(0, n_chunks - NBUF), n_chunks):
            od[c % NBUF].wait()

    return gather_kernel


def _mask_body(m_ref, o_ref, z_ref):
    o_ref[...] = ((1.0 - m_ref[...]) * -10000.0)[:, None, None, :]
    z_ref[...] = jnp.zeros_like(z_ref)


def kernel(encoder_input_ids, encoder_attention_mask, embed_table):
    batch, seq = encoder_input_ids.shape
    hidden = _make_gather(batch, seq, D_MODEL)(embed_table, encoder_input_ids)
    hidden = hidden.reshape(batch, seq, D_MODEL)
    ext_mask, position_bias = pl.pallas_call(
        _mask_body,
        out_shape=(
            jax.ShapeDtypeStruct((batch, 1, 1, seq), jnp.float32),
            jax.ShapeDtypeStruct((batch, NUM_HEADS, seq), jnp.float32),
        ),
    )(encoder_attention_mask)
    position_bias = position_bias[..., None]
    return hidden, ext_mask, position_bias

# --- scband reference (transcript-rebuilt; emitter-appended) ---
"""Pipeline reference for scband-encoder-token-embeddings-1967095021972 (READ-ONLY COPY).

The authoritative reference and input builder live on the scoring server;
editing this copy changes nothing except your own understanding.
"""

import jax, jax.numpy as jnp
import numpy as np

VOCAB_SIZE = 100000
D_MODEL = 768
NUM_HEADS = 12

def setup_inputs(seed: int = 0) -> dict:
    key = jax.random.key(seed)
    k1, k2 = jax.random.split(key)
    encoder_input_ids = jax.random.randint(k1, (4, 4096), 0, VOCAB_SIZE, dtype=jnp.int64 if jax.config.jax_enable_x64 else jnp.int32).astype(jnp.int32)
    encoder_attention_mask = jnp.ones((4, 4096), dtype=jnp.float32)
    embed_table = jax.random.normal(k2, (VOCAB_SIZE, D_MODEL), dtype=jnp.float32)
    return {"encoder_input_ids": encoder_input_ids, "encoder_attention_mask": encoder_attention_mask, "embed_table": embed_table}

def reference(encoder_input_ids, encoder_attention_mask, embed_table):
    input_shape = encoder_input_ids.shape
    batch_size, seq_length = input_shape
    input_ids = encoder_input_ids.reshape(-1, input_shape[-1])
    # embedding lookup (gather) -- maps to SparseCore gather
    encoder_hidden_states = jnp.take(embed_table, input_ids, axis=0)
    # get_extended_attention_mask for 2D mask, is_decoder=False
    extended_encoder_attention_mask = encoder_attention_mask[:, None, None, :]
    extended_encoder_attention_mask = (1.0 - extended_encoder_attention_mask) * -10000.0
    # torch.empty is uninitialized; use zeros for determinism (same shape/dtype)
    encoder_position_bias = jnp.zeros((batch_size, NUM_HEADS, seq_length, 1), dtype=jnp.float32)
    # dropout is identity in eval mode
    return (encoder_hidden_states, extended_encoder_attention_mask, encoder_position_bias)

if __name__ == "__main__":
    import jax
    _d = setup_inputs()
    print(jax.jit(kernel)(*tuple(_d.values())))

</pallas_src>

<mosaic_0001>
#map = affine_map<(d0, d1) -> (0, 0)>
module attributes {stable_mosaic.version = 14 : i64} {
  func.func @gather_kernel(%arg0: i32, %arg1: i32, %arg2: memref<100000x768xf32, #tpu.memory_space<hbm>>, %arg3: memref<4x4096xi32, #tpu.memory_space<hbm>>, %arg4: memref<16384x768xf32, #tpu.memory_space<hbm>>, %arg5: memref<512xi32, #tpu.memory_space<vmem>>, %arg6: memref<2x64x768xf32, #tpu.memory_space<vmem>>, %arg7: memref<!tpu.dma_semaphore, #tpu.memory_space<semaphore_mem>>, %arg8: memref<!tpu.dma_semaphore, #tpu.memory_space<semaphore_mem>>) attributes {dimension_semantics = [#tpu.dimension_semantics<core_parallel>, #tpu.dimension_semantics<subcore_parallel>], iteration_bounds = array<i64: 2, 16>, scalar_prefetch = 0 : i64, scratch_operands = 4 : i64, tpu.core_type = #tpu.core_type<sc_vector_subcore>, window_params = [{transform_indices = #map}, {transform_indices = #map}, {transform_indices = #map}]} {
    %mul3A = arith.constant 2 : i32
    %mul3A_0 = arith.muli %arg1, %mul3A : i32
    %add3A = arith.addi %mul3A_0, %arg0 : i32
    %mul3A_1 = arith.constant 512 : i32
    %mul3A_2 = arith.muli %add3A, %mul3A_1 : i32
    %jit3A = arith.constant 8 : i32
    %div3A = arith.divsi %add3A, %jit3A : i32
    %sign3A = arith.constant 0 : i32
    %sign3A_3 = arith.cmpi sgt, %add3A, %sign3A : i32
    %sign3A_4 = arith.extui %sign3A_3 : i1 to i32
    %sign3A_5 = arith.constant 0 : i32
    %sign3A_6 = arith.cmpi slt, %add3A, %sign3A_5 : i32
    %sign3A_7 = arith.extui %sign3A_6 : i1 to i32
    %sign3A_8 = arith.subi %sign3A_4, %sign3A_7 : i32
    %sign3A_9 = arith.constant 0 : i32
    %sign3A_10 = arith.cmpi sgt, %jit3A, %sign3A_9 : i32
    %sign3A_11 = arith.extui %sign3A_10 : i1 to i32
    %sign3A_12 = arith.constant 0 : i32
    %sign3A_13 = arith.cmpi slt, %jit3A, %sign3A_12 : i32
    %sign3A_14 = arith.extui %sign3A_13 : i1 to i32
    %sign3A_15 = arith.subi %sign3A_11, %sign3A_14 : i32
    %ne3A = arith.cmpi ne, %sign3A_8, %sign3A_15 : i32
    %rem3A = arith.remsi %add3A, %jit3A : i32
    %ne3A_16 = arith.constant 0 : i32
    %ne3A_17 = arith.cmpi ne, %rem3A, %ne3A_16 : i32
    %and3A = arith.andi %ne3A, %ne3A_17 : i1
    %sub3A = arith.constant 1 : i32
    %sub3A_18 = arith.subi %div3A, %sub3A : i32
    %select_n3A = arith.select %and3A, %sub3A_18, %div3A : i32
    %jit3A_19 = arith.constant 8 : i32
    %eq3A = arith.constant 0 : i32
    %eq3A_20 = arith.cmpi eq, %jit3A_19, %eq3A : i32
    %jit3A_21 = arith.constant 1 : i32
    %select_n3A_22 = arith.select %eq3A_20, %jit3A_21, %jit3A_19 : i32
    %rem3A_23 = arith.remsi %add3A, %select_n3A_22 : i32
    %ne3A_24 = arith.constant 0 : i32
    %ne3A_25 = arith.cmpi ne, %rem3A_23, %ne3A_24 : i32
    %lt3A = arith.constant 0 : i32
    %lt3A_26 = arith.cmpi slt, %rem3A_23, %lt3A : i32
    %lt3A_27 = arith.constant 0 : i32
    %lt3A_28 = arith.cmpi slt, %select_n3A_22, %lt3A_27 : i32
    %ne3A_29 = arith.xori %lt3A_26, %lt3A_28 : i1
    %and3A_30 = arith.andi %ne3A_29, %ne3A_25 : i1
    %add3A_31 = arith.addi %rem3A_23, %select_n3A_22 : i32
    %select_n3A_32 = arith.select %and3A_30, %add3A_31, %rem3A_23 : i32
    %mul3A_33 = arith.constant 512 : i32
    %mul3A_34 = arith.muli %select_n3A_32, %mul3A_33 : i32
    "tpu.region"() ({
      %run_scoped3A = tpu.sem_alloc : memref<!tpu.dma_semaphore, #tpu.memory_space<semaphore_mem>>
      %dma_start3A_417 = tpu.memref_slice %arg3[%select_n3A, %mul3A_34] : memref<4x4096xi32, #tpu.memory_space<hbm>> -> memref<1x512xi32, #tpu.memory_space<hbm>>
      %dma_start3A_418 = tpu.memref_squeeze %dma_start3A_417 : memref<1x512xi32, #tpu.memory_space<hbm>> -> memref<512xi32, #tpu.memory_space<hbm>>
      %dma_start3A_419 = tpu.memref_slice %arg3[%select_n3A, %mul3A_34] : memref<4x4096xi32, #tpu.memory_space<hbm>> -> memref<1x512xi32, #tpu.memory_space<hbm>>
      %dma_start3A_420 = tpu.memref_squeeze %dma_start3A_419 : memref<1x512xi32, #tpu.memory_space<hbm>> -> memref<512xi32, #tpu.memory_space<hbm>>
      tpu.enqueue_dma source(%dma_start3A_420 : memref<512xi32, #tpu.memory_space<hbm>>) target(%arg5 : memref<512xi32, #tpu.memory_space<vmem>>) target_semaphore(%run_scoped3A : memref<!tpu.dma_semaphore, #tpu.memory_space<semaphore_mem>>)
      %dma_wait3A_421 = tpu.memref_slice %arg3[%select_n3A, %mul3A_34] : memref<4x4096xi32, #tpu.memory_space<hbm>> -> memref<1x512xi32, #tpu.memory_space<hbm>>
      %dma_wait3A_422 = tpu.memref_squeeze %dma_wait3A_421 : memref<1x512xi32, #tpu.memory_space<hbm>> -> memref<512xi32, #tpu.memory_space<hbm>>
      %dma_wait3A_423 = tpu.memref_slice %arg3[%select_n3A, %mul3A_34] : memref<4x4096xi32, #tpu.memory_space<hbm>> -> memref<1x512xi32, #tpu.memory_space<hbm>>
      %dma_wait3A_424 = tpu.memref_squeeze %dma_wait3A_423 : memref<1x512xi32, #tpu.memory_space<hbm>> -> memref<512xi32, #tpu.memory_space<hbm>>
      tpu.wait_dma2 semaphore(%run_scoped3A : memref<!tpu.dma_semaphore, #tpu.memory_space<semaphore_mem>>) src(%dma_wait3A_424 : memref<512xi32, #tpu.memory_space<hbm>>) dst(%arg5 : memref<512xi32, #tpu.memory_space<vmem>>)
      tpu.yield
    }) : () -> ()
    %dma_start3A = arith.constant 0 : i32
    %dma_start3A_35 = arith.constant 0 : i32
    %dma_start3A_36 = arith.constant 0 : i32
    %dma_start3A_37 = tpu.memref_slice %arg6[%dma_start3A, %dma_start3A_35, %dma_start3A_36] : memref<2x64x768xf32, #tpu.memory_space<vmem>> -> memref<1x64x768xf32, #tpu.memory_space<vmem>>
    %dma_start3A_38 = tpu.memref_squeeze %dma_start3A_37 : memref<1x64x768xf32, #tpu.memory_space<vmem>> -> memref<64x768xf32, #tpu.memory_space<vmem>>
    %dma_start3A_39 = arith.constant 0 : i32
    %dma_start3A_40 = tpu.memref_slice %arg5[%dma_start3A_39] : memref<512xi32, #tpu.memory_space<vmem>> -> memref<64xi32, #tpu.memory_space<vmem>>
    %dma_start3A_41 = arith.constant 0 : i32
    %dma_start3A_42 = arith.constant 0 : i32
    %dma_start3A_43 = tpu.memref_slice %arg2[%dma_start3A_41, %dma_start3A_42] : memref<100000x768xf32, #tpu.memory_space<hbm>> -> memref<100000x768xf32, #tpu.memory_space<hbm>>
    tpu.enqueue_indirect_dma source(%dma_start3A_43 : memref<100000x768xf32, #tpu.memory_space<hbm>>) target(%dma_start3A_38 : memref<64x768xf32, #tpu.memory_space<vmem>>) offsets(%dma_start3A_40 : memref<64xi32, #tpu.memory_space<vmem>>) semaphore(%arg7 : memref<!tpu.dma_semaphore, #tpu.memory_space<semaphore_mem>>)
    %dma_start3A_44 = arith.constant 1 : i32
    %dma_start3A_45 = arith.constant 0 : i32
    %dma_start3A_46 = arith.constant 0 : i32
    %dma_start3A_47 = tpu.memref_slice %arg6[%dma_start3A_44, %dma_start3A_45, %dma_start3A_46] : memref<2x64x768xf32, #tpu.memory_space<vmem>> -> memref<1x64x768xf32, #tpu.memory_space<vmem>>
    %dma_start3A_48 = tpu.memref_squeeze %dma_start3A_47 : memref<1x64x768xf32, #tpu.memory_space<vmem>> -> memref<64x768xf32, #tpu.memory_space<vmem>>
    %dma_start3A_49 = arith.constant 64 : i32
    %dma_start3A_50 = tpu.memref_slice %arg5[%dma_start3A_49] : memref<512xi32, #tpu.memory_space<vmem>> -> memref<64xi32, #tpu.memory_space<vmem>>
    %dma_start3A_51 = arith.constant 0 : i32
    %dma_start3A_52 = arith.constant 0 : i32
    %dma_start3A_53 = tpu.memref_slice %arg2[%dma_start3A_51, %dma_start3A_52] : memref<100000x768xf32, #tpu.memory_space<hbm>> -> memref<100000x768xf32, #tpu.memory_space<hbm>>
    tpu.enqueue_indirect_dma source(%dma_start3A_53 : memref<100000x768xf32, #tpu.memory_space<hbm>>) target(%dma_start3A_48 : memref<64x768xf32, #tpu.memory_space<vmem>>) offsets(%dma_start3A_50 : memref<64xi32, #tpu.memory_space<vmem>>) semaphore(%arg7 : memref<!tpu.dma_semaphore, #tpu.memory_space<semaphore_mem>>)
    %dma_wait3A = arith.constant 0 : i32
    %dma_wait3A_54 = arith.constant 0 : i32
    %dma_wait3A_55 = arith.constant 0 : i32
    %dma_wait3A_56 = tpu.memref_slice %arg6[%dma_wait3A, %dma_wait3A_54, %dma_wait3A_55] : memref<2x64x768xf32, #tpu.memory_space<vmem>> -> memref<1x64x768xf32, #tpu.memory_space<vmem>>
    %dma_wait3A_57 = tpu.memref_squeeze %dma_wait3A_56 : memref<1x64x768xf32, #tpu.memory_space<vmem>> -> memref<64x768xf32, #tpu.memory_space<vmem>>
    %dma_wait3A_58 = arith.constant 0 : i32
    %dma_wait3A_59 = tpu.memref_slice %arg5[%dma_wait3A_58] : memref<512xi32, #tpu.memory_space<vmem>> -> memref<64xi32, #tpu.memory_space<vmem>>
    %dma_wait3A_60 = arith.constant 0 : i32
    %dma_wait3A_61 = arith.constant 0 : i32
    %dma_wait3A_62 = tpu.memref_slice %arg2[%dma_wait3A_60, %dma_wait3A_61] : memref<100000x768xf32, #tpu.memory_space<hbm>> -> memref<100000x768xf32, #tpu.memory_space<hbm>>
    tpu.wait_indirect_dma semaphore(%arg7 : memref<!tpu.dma_semaphore, #tpu.memory_space<semaphore_mem>>) src(%dma_wait3A_62 : memref<100000x768xf32, #tpu.memory_space<hbm>>) dst(%dma_wait3A_57 : memref<64x768xf32, #tpu.memory_space<vmem>>)
    %add3A_63 = arith.constant 0 : i32
    %add3A_64 = arith.addi %mul3A_2, %add3A_63 : i32
    %dma_start3A_65 = arith.constant 0 : i32
    %dma_start3A_66 = arith.constant 0 : i32
    %dma_start3A_67 = arith.constant 0 : i32
    %dma_start3A_68 = tpu.memref_slice %arg6[%dma_start3A_65, %dma_start3A_66, %dma_start3A_67] : memref<2x64x768xf32, #tpu.memory_space<vmem>> -> memref<1x64x768xf32, #tpu.memory_space<vmem>>
    %dma_start3A_69 = tpu.memref_squeeze %dma_start3A_68 : memref<1x64x768xf32, #tpu.memory_space<vmem>> -> memref<64x768xf32, #tpu.memory_space<vmem>>
    %dma_start3A_70 = arith.constant 0 : i32
    %dma_start3A_71 = tpu.memref_slice %arg4[%add3A_64, %dma_start3A_70] : memref<16384x768xf32, #tpu.memory_space<hbm>> -> memref<64x768xf32, #tpu.memory_space<hbm>>
    %dma_start3A_72 = arith.constant 0 : i32
    %dma_start3A_73 = tpu.memref_slice %arg4[%add3A_64, %dma_start3A_72] : memref<16384x768xf32, #tpu.memory_space<hbm>> -> memref<64x768xf32, #tpu.memory_space<hbm>>
    %dma_start3A_74 = arith.constant 0 : i32
    %dma_start3A_75 = arith.constant 0 : i32
    %dma_start3A_76 = tpu.memref_slice %arg6[%dma_start3A_65, %dma_start3A_74, %dma_start3A_75] : memref<2x64x768xf32, #tpu.memory_space<vmem>> -> memref<1x64x768xf32, #tpu.memory_space<vmem>>
    %dma_start3A_77 = tpu.memref_squeeze %dma_start3A_76 : memref<1x64x768xf32, #tpu.memory_space<vmem>> -> memref<64x768xf32, #tpu.memory_space<vmem>>
    tpu.enqueue_dma source(%dma_start3A_77 : memref<64x768xf32, #tpu.memory_space<vmem>>) target(%dma_start3A_73 : memref<64x768xf32, #tpu.memory_space<hbm>>) target_semaphore(%arg8 : memref<!tpu.dma_semaphore, #tpu.memory_space<semaphore_mem>>)
    %dma_wait3A_78 = arith.constant 0 : i32
    %dma_wait3A_79 = arith.constant 0 : i32
    %dma_wait3A_80 = arith.constant 0 : i32
    %dma_wait3A_81 = tpu.memref_slice %arg6[%dma_wait3A_78, %dma_wait3A_79, %dma_wait3A_80] : memref<2x64x768xf32, #tpu.memory_space<vmem>> -> memref<1x64x768xf32, #tpu.memory_space<vmem>>
    %dma_wait3A_82 = tpu.memref_squeeze %dma_wait3A_81 : memref<1x64x768xf32, #tpu.memory_space<vmem>> -> memref<64x768xf32, #tpu.memory_space<vmem>>
    %dma_wait3A_83 = arith.constant 0 : i32
    %dma_wait3A_84 = tpu.memref_slice %arg4[%add3A_64, %dma_wait3A_83] : memref<16384x768xf32, #tpu.memory_space<hbm>> -> memref<64x768xf32, #tpu.memory_space<hbm>>
    %dma_wait3A_85 = arith.constant 0 : i32
    %dma_wait3A_86 = tpu.memref_slice %arg4[%add3A_64, %dma_wait3A_85] : memref<16384x768xf32, #tpu.memory_space<hbm>> -> memref<64x768xf32, #tpu.memory_space<hbm>>
    %dma_wait3A_87 = arith.constant 0 : i32
    %dma_wait3A_88 = arith.constant 0 : i32
    %dma_wait3A_89 = tpu.memref_slice %arg6[%dma_wait3A_78, %dma_wait3A_87, %dma_wait3A_88] : memref<2x64x768xf32, #tpu.memory_space<vmem>> -> memref<1x64x768xf32, #tpu.memory_space<vmem>>
    %dma_wait3A_90 = tpu.memref_squeeze %dma_wait3A_89 : memref<1x64x768xf32, #tpu.memory_space<vmem>> -> memref<64x768xf32, #tpu.memory_space<vmem>>
    tpu.wait_dma2 semaphore(%arg8 : memref<!tpu.dma_semaphore, #tpu.memory_space<semaphore_mem>>) src(%dma_wait3A_90 : memref<64x768xf32, #tpu.memory_space<vmem>>) dst(%dma_wait3A_86 : memref<64x768xf32, #tpu.memory_space<hbm>>)
    %dma_start3A_91 = arith.constant 0 : i32
    %dma_start3A_92 = arith.constant 0 : i32
    %dma_start3A_93 = arith.constant 0 : i32
    %dma_start3A_94 = tpu.memref_slice %arg6[%dma_start3A_91, %dma_start3A_92, %dma_start3A_93] : memref<2x64x768xf32, #tpu.memory_space<vmem>> -> memref<1x64x768xf32, #tpu.memory_space<vmem>>
    %dma_start3A_95 = tpu.memref_squeeze %dma_start3A_94 : memref<1x64x768xf32, #tpu.memory_space<vmem>> -> memref<64x768xf32, #tpu.memory_space<vmem>>
    %dma_start3A_96 = arith.constant 128 : i32
    %dma_start3A_97 = tpu.memref_slice %arg5[%dma_start3A_96] : memref<512xi32, #tpu.memory_space<vmem>> -> memref<64xi32, #tpu.memory_space<vmem>>
    %dma_start3A_98 = arith.constant 0 : i32
    %dma_start3A_99 = arith.constant 0 : i32
    %dma_start3A_100 = tpu.memref_slice %arg2[%dma_start3A_98, %dma_start3A_99] : memref<100000x768xf32, #tpu.memory_space<hbm>> -> memref<100000x768xf32, #tpu.memory_space<hbm>>
    tpu.enqueue_indirect_dma source(%dma_start3A_100 : memref<100000x768xf32, #tpu.memory_space<hbm>>) target(%dma_start3A_95 : memref<64x768xf32, #tpu.memory_space<vmem>>) offsets(%dma_start3A_97 : memref<64xi32, #tpu.memory_space<vmem>>) semaphore(%arg7 : memref<!tpu.dma_semaphore, #tpu.memory_space<semaphore_mem>>)
    %dma_wait3A_101 = arith.constant 1 : i32
    %dma_wait3A_102 = arith.constant 0 : i32
    %dma_wait3A_103 = arith.constant 0 : i32
    %dma_wait3A_104 = tpu.memref_slice %arg6[%dma_wait3A_101, %dma_wait3A_102, %dma_wait3A_103] : memref<2x64x768xf32, #tpu.memory_space<vmem>> -> memref<1x64x768xf32, #tpu.memory_space<vmem>>
    %dma_wait3A_105 = tpu.memref_squeeze %dma_wait3A_104 : memref<1x64x768xf32, #tpu.memory_space<vmem>> -> memref<64x768xf32, #tpu.memory_space<vmem>>
    %dma_wait3A_106 = arith.constant 64 : i32
    %dma_wait3A_107 = tpu.memref_slice %arg5[%dma_wait3A_106] : memref<512xi32, #tpu.memory_space<vmem>> -> memref<64xi32, #tpu.memory_space<vmem>>
    %dma_wait3A_108 = arith.constant 0 : i32
    %dma_wait3A_109 = arith.constant 0 : i32
    %dma_wait3A_110 = tpu.memref_slice %arg2[%dma_wait3A_108, %dma_wait3A_109] : memref<100000x768xf32, #tpu.memory_space<hbm>> -> memref<100000x768xf32, #tpu.memory_space<hbm>>
    tpu.wait_indirect_dma semaphore(%arg7 : memref<!tpu.dma_semaphore, #tpu.memory_space<semaphore_mem>>) src(%dma_wait3A_110 : memref<100000x768xf32, #tpu.memory_space<hbm>>) dst(%dma_wait3A_105 : memref<64x768xf32, #tpu.memory_space<vmem>>)
    %add3A_111 = arith.constant 64 : i32
    %add3A_112 = arith.addi %mul3A_2, %add3A_111 : i32
    %dma_start3A_113 = arith.constant 1 : i32
    %dma_start3A_114 = arith.constant 0 : i32
    %dma_start3A_115 = arith.constant 0 : i32
    %dma_start3A_116 = tpu.memref_slice %arg6[%dma_start3A_113, %dma_start3A_114, %dma_start3A_115] : memref<2x64x768xf32, #tpu.memory_space<vmem>> -> memref<1x64x768xf32, #tpu.memory_space<vmem>>
    %dma_start3A_117 = tpu.memref_squeeze %dma_start3A_116 : memref<1x64x768xf32, #tpu.memory_space<vmem>> -> memref<64x768xf32, #tpu.memory_space<vmem>>
    %dma_start3A_118 = arith.constant 0 : i32
    %dma_start3A_119 = tpu.memref_slice %arg4[%add3A_112, %dma_start3A_118] : memref<16384x768xf32, #tpu.memory_space<hbm>> -> memref<64x768xf32, #tpu.memory_space<hbm>>
    %dma_start3A_120 = arith.constant 0 : i32
    %dma_start3A_121 = tpu.memref_slice %arg4[%add3A_112, %dma_start3A_120] : memref<16384x768xf32, #tpu.memory_space<hbm>> -> memref<64x768xf32, #tpu.memory_space<hbm>>
    %dma_start3A_122 = arith.constant 0 : i32
    %dma_start3A_123 = arith.constant 0 : i32
    %dma_start3A_124 = tpu.memref_slice %arg6[%dma_start3A_113, %dma_start3A_122, %dma_start3A_123] : memref<2x64x768xf32, #tpu.memory_space<vmem>> -> memref<1x64x768xf32, #tpu.memory_space<vmem>>
    %dma_start3A_125 = tpu.memref_squeeze %dma_start3A_124 : memref<1x64x768xf32, #tpu.memory_space<vmem>> -> memref<64x768xf32, #tpu.memory_space<vmem>>
    tpu.enqueue_dma source(%dma_start3A_125 : memref<64x768xf32, #tpu.memory_space<vmem>>) target(%dma_start3A_121 : memref<64x768xf32, #tpu.memory_space<hbm>>) target_semaphore(%arg8 : memref<!tpu.dma_semaphore, #tpu.memory_space<semaphore_mem>>)
    %dma_wait3A_126 = arith.constant 1 : i32
    %dma_wait3A_127 = arith.constant 0 : i32
    %dma_wait3A_128 = arith.constant 0 : i32
    %dma_wait3A_129 = tpu.memref_slice %arg6[%dma_wait3A_126, %dma_wait3A_127, %dma_wait3A_128] : memref<2x64x768xf32, #tpu.memory_space<vmem>> -> memref<1x64x768xf32, #tpu.memory_space<vmem>>
    %dma_wait3A_130 = tpu.memref_squeeze %dma_wait3A_129 : memref<1x64x768xf32, #tpu.memory_space<vmem>> -> memref<64x768xf32, #tpu.memory_space<vmem>>
    %dma_wait3A_131 = arith.constant 0 : i32
    %dma_wait3A_132 = tpu.memref_slice %arg4[%add3A_112, %dma_wait3A_131] : memref<16384x768xf32, #tpu.memory_space<hbm>> -> memref<64x768xf32, #tpu.memory_space<hbm>>
    %dma_wait3A_133 = arith.constant 0 : i32
    %dma_wait3A_134 = tpu.memref_slice %arg4[%add3A_112, %dma_wait3A_133] : memref<16384x768xf32, #tpu.memory_space<hbm>> -> memref<64x768xf32, #tpu.memory_space<hbm>>
    %dma_wait3A_135 = arith.constant 0 : i32
    %dma_wait3A_136 = arith.constant 0 : i32
    %dma_wait3A_137 = tpu.memref_slice %arg6[%dma_wait3A_126, %dma_wait3A_135, %dma_wait3A_136] : memref<2x64x768xf32, #tpu.memory_space<vmem>> -> memref<1x64x768xf32, #tpu.memory_space<vmem>>
    %dma_wait3A_138 = tpu.memref_squeeze %dma_wait3A_137 : memref<1x64x768xf32, #tpu.memory_space<vmem>> -> memref<64x768xf32, #tpu.memory_space<vmem>>
    tpu.wait_dma2 semaphore(%arg8 : memref<!tpu.dma_semaphore, #tpu.memory_space<semaphore_mem>>) src(%dma_wait3A_138 : memref<64x768xf32, #tpu.memory_space<vmem>>) dst(%dma_wait3A_134 : memref<64x768xf32, #tpu.memory_space<hbm>>)
    %dma_start3A_139 = arith.constant 1 : i32
    %dma_start3A_140 = arith.constant 0 : i32
    %dma_start3A_141 = arith.constant 0 : i32
    %dma_start3A_142 = tpu.memref_slice %arg6[%dma_start3A_139, %dma_start3A_140, %dma_start3A_141] : memref<2x64x768xf32, #tpu.memory_space<vmem>> -> memref<1x64x768xf32, #tpu.memory_space<vmem>>
    %dma_start3A_143 = tpu.memref_squeeze %dma_start3A_142 : memref<1x64x768xf32, #tpu.memory_space<vmem>> -> memref<64x768xf32, #tpu.memory_space<vmem>>
    %dma_start3A_144 = arith.constant 192 : i32
    %dma_start3A_145 = tpu.memref_slice %arg5[%dma_start3A_144] : memref<512xi32, #tpu.memory_space<vmem>> -> memref<64xi32, #tpu.memory_space<vmem>>
    %dma_start3A_146 = arith.constant 0 : i32
    %dma_start3A_147 = arith.constant 0 : i32
    %dma_start3A_148 = tpu.memref_slice %arg2[%dma_start3A_146, %dma_start3A_147] : memref<100000x768xf32, #tpu.memory_space<hbm>> -> memref<100000x768xf32, #tpu.memory_space<hbm>>
    tpu.enqueue_indirect_dma source(%dma_start3A_148 : memref<100000x768xf32, #tpu.memory_space<hbm>>) target(%dma_start3A_143 : memref<64x768xf32, #tpu.memory_space<vmem>>) offsets(%dma_start3A_145 : memref<64xi32, #tpu.memory_space<vmem>>) semaphore(%arg7 : memref<!tpu.dma_semaphore, #tpu.memory_space<semaphore_mem>>)
    %dma_wait3A_149 = arith.constant 0 : i32
    %dma_wait3A_150 = arith.constant 0 : i32
    %dma_wait3A_151 = arith.constant 0 : i32
    %dma_wait3A_152 = tpu.memref_slice %arg6[%dma_wait3A_149, %dma_wait3A_150, %dma_wait3A_151] : memref<2x64x768xf32, #tpu.memory_space<vmem>> -> memref<1x64x768xf32, #tpu.memory_space<vmem>>
    %dma_wait3A_153 = tpu.memref_squeeze %dma_wait3A_152 : memref<1x64x768xf32, #tpu.memory_space<vmem>> -> memref<64x768xf32, #tpu.memory_space<vmem>>
    %dma_wait3A_154 = arith.constant 128 : i32
    %dma_wait3A_155 = tpu.memref_slice %arg5[%dma_wait3A_154] : memref<512xi32, #tpu.memory_space<vmem>> -> memref<64xi32, #tpu.memory_space<vmem>>
    %dma_wait3A_156 = arith.constant 0 : i32
    %dma_wait3A_157 = arith.constant 0 : i32
    %dma_wait3A_158 = tpu.memref_slice %arg2[%dma_wait3A_156, %dma_wait3A_157] : memref<100000x768xf32, #tpu.memory_space<hbm>> -> memref<100000x768xf32, #tpu.memory_space<hbm>>
    tpu.wait_indirect_dma semaphore(%arg7 : memref<!tpu.dma_semaphore, #tpu.memory_space<semaphore_mem>>) src(%dma_wait3A_158 : memref<100000x768xf32, #tpu.memory_space<hbm>>) dst(%dma_wait3A_153 : memref<64x768xf32, #tpu.memory_space<vmem>>)
    %add3A_159 = arith.constant 128 : i32
    %add3A_160 = arith.addi %mul3A_2, %add3A_159 : i32
    %dma_start3A_161 = arith.constant 0 : i32
    %dma_start3A_162 = arith.constant 0 : i32
    %dma_start3A_163 = arith.constant 0 : i32
    %dma_start3A_164 = tpu.memref_slice %arg6[%dma_start3A_161, %dma_start3A_162, %dma_start3A_163] : memref<2x64x768xf32, #tpu.memory_space<vmem>> -> memref<1x64x768xf32, #tpu.memory_space<vmem>>
    %dma_start3A_165 = tpu.memref_squeeze %dma_start3A_164 : memref<1x64x768xf32, #tpu.memory_space<vmem>> -> memref<64x768xf32, #tpu.memory_space<vmem>>
    %dma_start3A_166 = arith.constant 0 : i32
    %dma_start3A_167 = tpu.memref_slice %arg4[%add3A_160, %dma_start3A_166] : memref<16384x768xf32, #tpu.memory_space<hbm>> -> memref<64x768xf32, #tpu.memory_space<hbm>>
    %dma_start3A_168 = arith.constant 0 : i32
    %dma_start3A_169 = tpu.memref_slice %arg4[%add3A_160, %dma_start3A_168] : memref<16384x768xf32, #tpu.memory_space<hbm>> -> memref<64x768xf32, #tpu.memory_space<hbm>>
    %dma_start3A_170 = arith.constant 0 : i32
    %dma_start3A_171 = arith.constant 0 : i32
    %dma_start3A_172 = tpu.memref_slice %arg6[%dma_start3A_161, %dma_start3A_170, %dma_start3A_171] : memref<2x64x768xf32, #tpu.memory_space<vmem>> -> memref<1x64x768xf32, #tpu.memory_space<vmem>>
    %dma_start3A_173 = tpu.memref_squeeze %dma_start3A_172 : memref<1x64x768xf32, #tpu.memory_space<vmem>> -> memref<64x768xf32, #tpu.memory_space<vmem>>
    tpu.enqueue_dma source(%dma_start3A_173 : memref<64x768xf32, #tpu.memory_space<vmem>>) target(%dma_start3A_169 : memref<64x768xf32, #tpu.memory_space<hbm>>) target_semaphore(%arg8 : memref<!tpu.dma_semaphore, #tpu.memory_space<semaphore_mem>>)
    %dma_wait3A_174 = arith.constant 0 : i32
    %dma_wait3A_175 = arith.constant 0 : i32
    %dma_wait3A_176 = arith.constant 0 : i32
    %dma_wait3A_177 = tpu.memref_slice %arg6[%dma_wait3A_174, %dma_wait3A_175, %dma_wait3A_176] : memref<2x64x768xf32, #tpu.memory_space<vmem>> -> memref<1x64x768xf32, #tpu.memory_space<vmem>>
    %dma_wait3A_178 = tpu.memref_squeeze %dma_wait3A_177 : memref<1x64x768xf32, #tpu.memory_space<vmem>> -> memref<64x768xf32, #tpu.memory_space<vmem>>
    %dma_wait3A_179 = arith.constant 0 : i32
    %dma_wait3A_180 = tpu.memref_slice %arg4[%add3A_160, %dma_wait3A_179] : memref<16384x768xf32, #tpu.memory_space<hbm>> -> memref<64x768xf32, #tpu.memory_space<hbm>>
    %dma_wait3A_181 = arith.constant 0 : i32
    %dma_wait3A_182 = tpu.memref_slice %arg4[%add3A_160, %dma_wait3A_181] : memref<16384x768xf32, #tpu.memory_space<hbm>> -> memref<64x768xf32, #tpu.memory_space<hbm>>
    %dma_wait3A_183 = arith.constant 0 : i32
    %dma_wait3A_184 = arith.constant 0 : i32
    %dma_wait3A_185 = tpu.memref_slice %arg6[%dma_wait3A_174, %dma_wait3A_183, %dma_wait3A_184] : memref<2x64x768xf32, #tpu.memory_space<vmem>> -> memref<1x64x768xf32, #tpu.memory_space<vmem>>
    %dma_wait3A_186 = tpu.memref_squeeze %dma_wait3A_185 : memref<1x64x768xf32, #tpu.memory_space<vmem>> -> memref<64x768xf32, #tpu.memory_space<vmem>>
    tpu.wait_dma2 semaphore(%arg8 : memref<!tpu.dma_semaphore, #tpu.memory_space<semaphore_mem>>) src(%dma_wait3A_186 : memref<64x768xf32, #tpu.memory_space<vmem>>) dst(%dma_wait3A_182 : memref<64x768xf32, #tpu.memory_space<hbm>>)
    %dma_start3A_187 = arith.constant 0 : i32
    %dma_start3A_188 = arith.constant 0 : i32
    %dma_start3A_189 = arith.constant 0 : i32
    %dma_start3A_190 = tpu.memref_slice %arg6[%dma_start3A_187, %dma_start3A_188, %dma_start3A_189] : memref<2x64x768xf32, #tpu.memory_space<vmem>> -> memref<1x64x768xf32, #tpu.memory_space<vmem>>
    %dma_start3A_191 = tpu.memref_squeeze %dma_start3A_190 : memref<1x64x768xf32, #tpu.memory_space<vmem>> -> memref<64x768xf32, #tpu.memory_space<vmem>>
    %dma_start3A_192 = arith.constant 256 : i32
    %dma_start3A_193 = tpu.memref_slice %arg5[%dma_start3A_192] : memref<512xi32, #tpu.memory_space<vmem>> -> memref<64xi32, #tpu.memory_space<vmem>>
    %dma_start3A_194 = arith.constant 0 : i32
    %dma_start3A_195 = arith.constant 0 : i32
    %dma_start3A_196 = tpu.memref_slice %arg2[%dma_start3A_194, %dma_start3A_195] : memref<100000x768xf32, #tpu.memory_space<hbm>> -> memref<100000x768xf32, #tpu.memory_space<hbm>>
    tpu.enqueue_indirect_dma source(%dma_start3A_196 : memref<100000x768xf32, #tpu.memory_space<hbm>>) target(%dma_start3A_191 : memref<64x768xf32, #tpu.memory_space<vmem>>) offsets(%dma_start3A_193 : memref<64xi32, #tpu.memory_space<vmem>>) semaphore(%arg7 : memref<!tpu.dma_semaphore, #tpu.memory_space<semaphore_mem>>)
    %dma_wait3A_197 = arith.constant 1 : i32
    %dma_wait3A_198 = arith.constant 0 : i32
    %dma_wait3A_199 = arith.constant 0 : i32
    %dma_wait3A_200 = tpu.memref_slice %arg6[%dma_wait3A_197, %dma_wait3A_198, %dma_wait3A_199] : memref<2x64x768xf32, #tpu.memory_space<vmem>> -> memref<1x64x768xf32, #tpu.memory_space<vmem>>
    %dma_wait3A_201 = tpu.memref_squeeze %dma_wait3A_200 : memref<1x64x768xf32, #tpu.memory_space<vmem>> -> memref<64x768xf32, #tpu.memory_space<vmem>>
    %dma_wait3A_202 = arith.constant 192 : i32
    %dma_wait3A_203 = tpu.memref_slice %arg5[%dma_wait3A_202] : memref<512xi32, #tpu.memory_space<vmem>> -> memref<64xi32, #tpu.memory_space<vmem>>
    %dma_wait3A_204 = arith.constant 0 : i32
    %dma_wait3A_205 = arith.constant 0 : i32
    %dma_wait3A_206 = tpu.memref_slice %arg2[%dma_wait3A_204, %dma_wait3A_205] : memref<100000x768xf32, #tpu.memory_space<hbm>> -> memref<100000x768xf32, #tpu.memory_space<hbm>>
    tpu.wait_indirect_dma semaphore(%arg7 : memref<!tpu.dma_semaphore, #tpu.memory_space<semaphore_mem>>) src(%dma_wait3A_206 : memref<100000x768xf32, #tpu.memory_space<hbm>>) dst(%dma_wait3A_201 : memref<64x768xf32, #tpu.memory_space<vmem>>)
    %add3A_207 = arith.constant 192 : i32
    %add3A_208 = arith.addi %mul3A_2, %add3A_207 : i32
    %dma_start3A_209 = arith.constant 1 : i32
    %dma_start3A_210 = arith.constant 0 : i32
    %dma_start3A_211 = arith.constant 0 : i32
    %dma_start3A_212 = tpu.memref_slice %arg6[%dma_start3A_209, %dma_start3A_210, %dma_start3A_211] : memref<2x64x768xf32, #tpu.memory_space<vmem>> -> memref<1x64x768xf32, #tpu.memory_space<vmem>>
    %dma_start3A_213 = tpu.memref_squeeze %dma_start3A_212 : memref<1x64x768xf32, #tpu.memory_space<vmem>> -> memref<64x768xf32, #tpu.memory_space<vmem>>
    %dma_start3A_214 = arith.constant 0 : i32
    %dma_start3A_215 = tpu.memref_slice %arg4[%add3A_208, %dma_start3A_214] : memref<16384x768xf32, #tpu.memory_space<hbm>> -> memref<64x768xf32, #tpu.memory_space<hbm>>
    %dma_start3A_216 = arith.constant 0 : i32
    %dma_start3A_217 = tpu.memref_slice %arg4[%add3A_208, %dma_start3A_216] : memref<16384x768xf32, #tpu.memory_space<hbm>> -> memref<64x768xf32, #tpu.memory_space<hbm>>
    %dma_start3A_218 = arith.constant 0 : i32
    %dma_start3A_219 = arith.constant 0 : i32
    %dma_start3A_220 = tpu.memref_slice %arg6[%dma_start3A_209, %dma_start3A_218, %dma_start3A_219] : memref<2x64x768xf32, #tpu.memory_space<vmem>> -> memref<1x64x768xf32, #tpu.memory_space<vmem>>
    %dma_start3A_221 = tpu.memref_squeeze %dma_start3A_220 : memref<1x64x768xf32, #tpu.memory_space<vmem>> -> memref<64x768xf32, #tpu.memory_space<vmem>>
    tpu.enqueue_dma source(%dma_start3A_221 : memref<64x768xf32, #tpu.memory_space<vmem>>) target(%dma_start3A_217 : memref<64x768xf32, #tpu.memory_space<hbm>>) target_semaphore(%arg8 : memref<!tpu.dma_semaphore, #tpu.memory_space<semaphore_mem>>)
    %dma_wait3A_222 = arith.constant 1 : i32
    %dma_wait3A_223 = arith.constant 0 : i32
    %dma_wait3A_224 = arith.constant 0 : i32
    %dma_wait3A_225 = tpu.memref_slice %arg6[%dma_wait3A_222, %dma_wait3A_223, %dma_wait3A_224] : memref<2x64x768xf32, #tpu.memory_space<vmem>> -> memref<1x64x768xf32, #tpu.memory_space<vmem>>
    %dma_wait3A_226 = tpu.memref_squeeze %dma_wait3A_225 : memref<1x64x768xf32, #tpu.memory_space<vmem>> -> memref<64x768xf32, #tpu.memory_space<vmem>>
    %dma_wait3A_227 = arith.constant 0 : i32
    %dma_wait3A_228 = tpu.memref_slice %arg4[%add3A_208, %dma_wait3A_227] : memref<16384x768xf32, #tpu.memory_space<hbm>> -> memref<64x768xf32, #tpu.memory_space<hbm>>
    %dma_wait3A_229 = arith.constant 0 : i32
    %dma_wait3A_230 = tpu.memref_slice %arg4[%add3A_208, %dma_wait3A_229] : memref<16384x768xf32, #tpu.memory_space<hbm>> -> memref<64x768xf32, #tpu.memory_space<hbm>>
    %dma_wait3A_231 = arith.constant 0 : i32
    %dma_wait3A_232 = arith.constant 0 : i32
    %dma_wait3A_233 = tpu.memref_slice %arg6[%dma_wait3A_222, %dma_wait3A_231, %dma_wait3A_232] : memref<2x64x768xf32, #tpu.memory_space<vmem>> -> memref<1x64x768xf32, #tpu.memory_space<vmem>>
    %dma_wait3A_234 = tpu.memref_squeeze %dma_wait3A_233 : memref<1x64x768xf32, #tpu.memory_space<vmem>> -> memref<64x768xf32, #tpu.memory_space<vmem>>
    tpu.wait_dma2 semaphore(%arg8 : memref<!tpu.dma_semaphore, #tpu.memory_space<semaphore_mem>>) src(%dma_wait3A_234 : memref<64x768xf32, #tpu.memory_space<vmem>>) dst(%dma_wait3A_230 : memref<64x768xf32, #tpu.memory_space<hbm>>)
    %dma_start3A_235 = arith.constant 1 : i32
    %dma_start3A_236 = arith.constant 0 : i32
    %dma_start3A_237 = arith.constant 0 : i32
    %dma_start3A_238 = tpu.memref_slice %arg6[%dma_start3A_235, %dma_start3A_236, %dma_start3A_237] : memref<2x64x768xf32, #tpu.memory_space<vmem>> -> memref<1x64x768xf32, #tpu.memory_space<vmem>>
    %dma_start3A_239 = tpu.memref_squeeze %dma_start3A_238 : memref<1x64x768xf32, #tpu.memory_space<vmem>> -> memref<64x768xf32, #tpu.memory_space<vmem>>
    %dma_start3A_240 = arith.constant 320 : i32
    %dma_start3A_241 = tpu.memref_slice %arg5[%dma_start3A_240] : memref<512xi32, #tpu.memory_space<vmem>> -> memref<64xi32, #tpu.memory_space<vmem>>
    %dma_start3A_242 = arith.constant 0 : i32
    %dma_start3A_243 = arith.constant 0 : i32
    %dma_start3A_244 = tpu.memref_slice %arg2[%dma_start3A_242, %dma_start3A_243] : memref<100000x768xf32, #tpu.memory_space<hbm>> -> memref<100000x768xf32, #tpu.memory_space<hbm>>
    tpu.enqueue_indirect_dma source(%dma_start3A_244 : memref<100000x768xf32, #tpu.memory_space<hbm>>) target(%dma_start3A_239 : memref<64x768xf32, #tpu.memory_space<vmem>>) offsets(%dma_start3A_241 : memref<64xi32, #tpu.memory_space<vmem>>) semaphore(%arg7 : memref<!tpu.dma_semaphore, #tpu.memory_space<semaphore_mem>>)
    %dma_wait3A_245 = arith.constant 0 : i32
    %dma_wait3A_246 = arith.constant 0 : i32
    %dma_wait3A_247 = arith.constant 0 : i32
    %dma_wait3A_248 = tpu.memref_slice %arg6[%dma_wait3A_245, %dma_wait3A_246, %dma_wait3A_247] : memref<2x64x768xf32, #tpu.memory_space<vmem>> -> memref<1x64x768xf32, #tpu.memory_space<vmem>>
    %dma_wait3A_249 = tpu.memref_squeeze %dma_wait3A_248 : memref<1x64x768xf32, #tpu.memory_space<vmem>> -> memref<64x768xf32, #tpu.memory_space<vmem>>
    %dma_wait3A_250 = arith.constant 256 : i32
    %dma_wait3A_251 = tpu.memref_slice %arg5[%dma_wait3A_250] : memref<512xi32, #tpu.memory_space<vmem>> -> memref<64xi32, #tpu.memory_space<vmem>>
    %dma_wait3A_252 = arith.constant 0 : i32
    %dma_wait3A_253 = arith.constant 0 : i32
    %dma_wait3A_254 = tpu.memref_slice %arg2[%dma_wait3A_252, %dma_wait3A_253] : memref<100000x768xf32, #tpu.memory_space<hbm>> -> memref<100000x768xf32, #tpu.memory_space<hbm>>
    tpu.wait_indirect_dma semaphore(%arg7 : memref<!tpu.dma_semaphore, #tpu.memory_space<semaphore_mem>>) src(%dma_wait3A_254 : memref<100000x768xf32, #tpu.memory_space<hbm>>) dst(%dma_wait3A_249 : memref<64x768xf32, #tpu.memory_space<vmem>>)
    %add3A_255 = arith.constant 256 : i32
    %add3A_256 = arith.addi %mul3A_2, %add3A_255 : i32
    %dma_start3A_257 = arith.constant 0 : i32
    %dma_start3A_258 = arith.constant 0 : i32
    %dma_start3A_259 = arith.constant 0 : i32
    %dma_start3A_260 = tpu.memref_slice %arg6[%dma_start3A_257, %dma_start3A_258, %dma_start3A_259] : memref<2x64x768xf32, #tpu.memory_space<vmem>> -> memref<1x64x768xf32, #tpu.memory_space<vmem>>
    %dma_start3A_261 = tpu.memref_squeeze %dma_start3A_260 : memref<1x64x768xf32, #tpu.memory_space<vmem>> -> memref<64x768xf32, #tpu.memory_space<vmem>>
    %dma_start3A_262 = arith.constant 0 : i32
    %dma_start3A_263 = tpu.memref_slice %arg4[%add3A_256, %dma_start3A_262] : memref<16384x768xf32, #tpu.memory_space<hbm>> -> memref<64x768xf32, #tpu.memory_space<hbm>>
    %dma_start3A_264 = arith.constant 0 : i32
    %dma_start3A_265 = tpu.memref_slice %arg4[%add3A_256, %dma_start3A_264] : memref<16384x768xf32, #tpu.memory_space<hbm>> -> memref<64x768xf32, #tpu.memory_space<hbm>>
    %dma_start3A_266 = arith.constant 0 : i32
    %dma_start3A_267 = arith.constant 0 : i32
    %dma_start3A_268 = tpu.memref_slice %arg6[%dma_start3A_257, %dma_start3A_266, %dma_start3A_267] : memref<2x64x768xf32, #tpu.memory_space<vmem>> -> memref<1x64x768xf32, #tpu.memory_space<vmem>>
    %dma_start3A_269 = tpu.memref_squeeze %dma_start3A_268 : memref<1x64x768xf32, #tpu.memory_space<vmem>> -> memref<64x768xf32, #tpu.memory_space<vmem>>
    tpu.enqueue_dma source(%dma_start3A_269 : memref<64x768xf32, #tpu.memory_space<vmem>>) target(%dma_start3A_265 : memref<64x768xf32, #tpu.memory_space<hbm>>) target_semaphore(%arg8 : memref<!tpu.dma_semaphore, #tpu.memory_space<semaphore_mem>>)
    %dma_wait3A_270 = arith.constant 0 : i32
    %dma_wait3A_271 = arith.constant 0 : i32
    %dma_wait3A_272 = arith.constant 0 : i32
    %dma_wait3A_273 = tpu.memref_slice %arg6[%dma_wait3A_270, %dma_wait3A_271, %dma_wait3A_272] : memref<2x64x768xf32, #tpu.memory_space<vmem>> -> memref<1x64x768xf32, #tpu.memory_space<vmem>>
    %dma_wait3A_274 = tpu.memref_squeeze %dma_wait3A_273 : memref<1x64x768xf32, #tpu.memory_space<vmem>> -> memref<64x768xf32, #tpu.memory_space<vmem>>
    %dma_wait3A_275 = arith.constant 0 : i32
    %dma_wait3A_276 = tpu.memref_slice %arg4[%add3A_256, %dma_wait3A_275] : memref<16384x768xf32, #tpu.memory_space<hbm>> -> memref<64x768xf32, #tpu.memory_space<hbm>>
    %dma_wait3A_277 = arith.constant 0 : i32
    %dma_wait3A_278 = tpu.memref_slice %arg4[%add3A_256, %dma_wait3A_277] : memref<16384x768xf32, #tpu.memory_space<hbm>> -> memref<64x768xf32, #tpu.memory_space<hbm>>
    %dma_wait3A_279 = arith.constant 0 : i32
    %dma_wait3A_280 = arith.constant 0 : i32
    %dma_wait3A_281 = tpu.memref_slice %arg6[%dma_wait3A_270, %dma_wait3A_279, %dma_wait3A_280] : memref<2x64x768xf32, #tpu.memory_space<vmem>> -> memref<1x64x768xf32, #tpu.memory_space<vmem>>
    %dma_wait3A_282 = tpu.memref_squeeze %dma_wait3A_281 : memref<1x64x768xf32, #tpu.memory_space<vmem>> -> memref<64x768xf32, #tpu.memory_space<vmem>>
    tpu.wait_dma2 semaphore(%arg8 : memref<!tpu.dma_semaphore, #tpu.memory_space<semaphore_mem>>) src(%dma_wait3A_282 : memref<64x768xf32, #tpu.memory_space<vmem>>) dst(%dma_wait3A_278 : memref<64x768xf32, #tpu.memory_space<hbm>>)
    %dma_start3A_283 = arith.constant 0 : i32
    %dma_start3A_284 = arith.constant 0 : i32
    %dma_start3A_285 = arith.constant 0 : i32
    %dma_start3A_286 = tpu.memref_slice %arg6[%dma_start3A_283, %dma_start3A_284, %dma_start3A_285] : memref<2x64x768xf32, #tpu.memory_space<vmem>> -> memref<1x64x768xf32, #tpu.memory_space<vmem>>
    %dma_start3A_287 = tpu.memref_squeeze %dma_start3A_286 : memref<1x64x768xf32, #tpu.memory_space<vmem>> -> memref<64x768xf32, #tpu.memory_space<vmem>>
    %dma_start3A_288 = arith.constant 384 : i32
    %dma_start3A_289 = tpu.memref_slice %arg5[%dma_start3A_288] : memref<512xi32, #tpu.memory_space<vmem>> -> memref<64xi32, #tpu.memory_space<vmem>>
    %dma_start3A_290 = arith.constant 0 : i32
    %dma_start3A_291 = arith.constant 0 : i32
    %dma_start3A_292 = tpu.memref_slice %arg2[%dma_start3A_290, %dma_start3A_291] : memref<100000x768xf32, #tpu.memory_space<hbm>> -> memref<100000x768xf32, #tpu.memory_space<hbm>>
    tpu.enqueue_indirect_dma source(%dma_start3A_292 : memref<100000x768xf32, #tpu.memory_space<hbm>>) target(%dma_start3A_287 : memref<64x768xf32, #tpu.memory_space<vmem>>) offsets(%dma_start3A_289 : memref<64xi32, #tpu.memory_space<vmem>>) semaphore(%arg7 : memref<!tpu.dma_semaphore, #tpu.memory_space<semaphore_mem>>)
    %dma_wait3A_293 = arith.constant 1 : i32
    %dma_wait3A_294 = arith.constant 0 : i32
    %dma_wait3A_295 = arith.constant 0 : i32
    %dma_wait3A_296 = tpu.memref_slice %arg6[%dma_wait3A_293, %dma_wait3A_294, %dma_wait3A_295] : memref<2x64x768xf32, #tpu.memory_space<vmem>> -> memref<1x64x768xf32, #tpu.memory_space<vmem>>
    %dma_wait3A_297 = tpu.memref_squeeze %dma_wait3A_296 : memref<1x64x768xf32, #tpu.memory_space<vmem>> -> memref<64x768xf32, #tpu.memory_space<vmem>>
    %dma_wait3A_298 = arith.constant 320 : i32
    %dma_wait3A_299 = tpu.memref_slice %arg5[%dma_wait3A_298] : memref<512xi32, #tpu.memory_space<vmem>> -> memref<64xi32, #tpu.memory_space<vmem>>
    %dma_wait3A_300 = arith.constant 0 : i32
    %dma_wait3A_301 = arith.constant 0 : i32
    %dma_wait3A_302 = tpu.memref_slice %arg2[%dma_wait3A_300, %dma_wait3A_301] : memref<100000x768xf32, #tpu.memory_space<hbm>> -> memref<100000x768xf32, #tpu.memory_space<hbm>>
    tpu.wait_indirect_dma semaphore(%arg7 : memref<!tpu.dma_semaphore, #tpu.memory_space<semaphore_mem>>) src(%dma_wait3A_302 : memref<100000x768xf32, #tpu.memory_space<hbm>>) dst(%dma_wait3A_297 : memref<64x768xf32, #tpu.memory_space<vmem>>)
    %add3A_303 = arith.constant 320 : i32
    %add3A_304 = arith.addi %mul3A_2, %add3A_303 : i32
    %dma_start3A_305 = arith.constant 1 : i32
    %dma_start3A_306 = arith.constant 0 : i32
    %dma_start3A_307 = arith.constant 0 : i32
    %dma_start3A_308 = tpu.memref_slice %arg6[%dma_start3A_305, %dma_start3A_306, %dma_start3A_307] : memref<2x64x768xf32, #tpu.memory_space<vmem>> -> memref<1x64x768xf32, #tpu.memory_space<vmem>>
    %dma_start3A_309 = tpu.memref_squeeze %dma_start3A_308 : memref<1x64x768xf32, #tpu.memory_space<vmem>> -> memref<64x768xf32, #tpu.memory_space<vmem>>
    %dma_start3A_310 = arith.constant 0 : i32
    %dma_start3A_311 = tpu.memref_slice %arg4[%add3A_304, %dma_start3A_310] : memref<16384x768xf32, #tpu.memory_space<hbm>> -> memref<64x768xf32, #tpu.memory_space<hbm>>
    %dma_start3A_312 = arith.constant 0 : i32
    %dma_start3A_313 = tpu.memref_slice %arg4[%add3A_304, %dma_start3A_312] : memref<16384x768xf32, #tpu.memory_space<hbm>> -> memref<64x768xf32, #tpu.memory_space<hbm>>
    %dma_start3A_314 = arith.constant 0 : i32
    %dma_start3A_315 = arith.constant 0 : i32
    %dma_start3A_316 = tpu.memref_slice %arg6[%dma_start3A_305, %dma_start3A_314, %dma_start3A_315] : memref<2x64x768xf32, #tpu.memory_space<vmem>> -> memref<1x64x768xf32, #tpu.memory_space<vmem>>
    %dma_start3A_317 = tpu.memref_squeeze %dma_start3A_316 : memref<1x64x768xf32, #tpu.memory_space<vmem>> -> memref<64x768xf32, #tpu.memory_space<vmem>>
    tpu.enqueue_dma source(%dma_start3A_317 : memref<64x768xf32, #tpu.memory_space<vmem>>) target(%dma_start3A_313 : memref<64x768xf32, #tpu.memory_space<hbm>>) target_semaphore(%arg8 : memref<!tpu.dma_semaphore, #tpu.memory_space<semaphore_mem>>)
    %dma_wait3A_318 = arith.constant 1 : i32
    %dma_wait3A_319 = arith.constant 0 : i32
    %dma_wait3A_320 = arith.constant 0 : i32
    %dma_wait3A_321 = tpu.memref_slice %arg6[%dma_wait3A_318, %dma_wait3A_319, %dma_wait3A_320] : memref<2x64x768xf32, #tpu.memory_space<vmem>> -> memref<1x64x768xf32, #tpu.memory_space<vmem>>
    %dma_wait3A_322 = tpu.memref_squeeze %dma_wait3A_321 : memref<1x64x768xf32, #tpu.memory_space<vmem>> -> memref<64x768xf32, #tpu.memory_space<vmem>>
    %dma_wait3A_323 = arith.constant 0 : i32
    %dma_wait3A_324 = tpu.memref_slice %arg4[%add3A_304, %dma_wait3A_323] : memref<16384x768xf32, #tpu.memory_space<hbm>> -> memref<64x768xf32, #tpu.memory_space<hbm>>
    %dma_wait3A_325 = arith.constant 0 : i32
    %dma_wait3A_326 = tpu.memref_slice %arg4[%add3A_304, %dma_wait3A_325] : memref<16384x768xf32, #tpu.memory_space<hbm>> -> memref<64x768xf32, #tpu.memory_space<hbm>>
    %dma_wait3A_327 = arith.constant 0 : i32
    %dma_wait3A_328 = arith.constant 0 : i32
    %dma_wait3A_329 = tpu.memref_slice %arg6[%dma_wait3A_318, %dma_wait3A_327, %dma_wait3A_328] : memref<2x64x768xf32, #tpu.memory_space<vmem>> -> memref<1x64x768xf32, #tpu.memory_space<vmem>>
    %dma_wait3A_330 = tpu.memref_squeeze %dma_wait3A_329 : memref<1x64x768xf32, #tpu.memory_space<vmem>> -> memref<64x768xf32, #tpu.memory_space<vmem>>
    tpu.wait_dma2 semaphore(%arg8 : memref<!tpu.dma_semaphore, #tpu.memory_space<semaphore_mem>>) src(%dma_wait3A_330 : memref<64x768xf32, #tpu.memory_space<vmem>>) dst(%dma_wait3A_326 : memref<64x768xf32, #tpu.memory_space<hbm>>)
    %dma_start3A_331 = arith.constant 1 : i32
    %dma_start3A_332 = arith.constant 0 : i32
    %dma_start3A_333 = arith.constant 0 : i32
    %dma_start3A_334 = tpu.memref_slice %arg6[%dma_start3A_331, %dma_start3A_332, %dma_start3A_333] : memref<2x64x768xf32, #tpu.memory_space<vmem>> -> memref<1x64x768xf32, #tpu.memory_space<vmem>>
    %dma_start3A_335 = tpu.memref_squeeze %dma_start3A_334 : memref<1x64x768xf32, #tpu.memory_space<vmem>> -> memref<64x768xf32, #tpu.memory_space<vmem>>
    %dma_start3A_336 = arith.constant 448 : i32
    %dma_start3A_337 = tpu.memref_slice %arg5[%dma_start3A_336] : memref<512xi32, #tpu.memory_space<vmem>> -> memref<64xi32, #tpu.memory_space<vmem>>
    %dma_start3A_338 = arith.constant 0 : i32
    %dma_start3A_339 = arith.constant 0 : i32
    %dma_start3A_340 = tpu.memref_slice %arg2[%dma_start3A_338, %dma_start3A_339] : memref<100000x768xf32, #tpu.memory_space<hbm>> -> memref<100000x768xf32, #tpu.memory_space<hbm>>
    tpu.enqueue_indirect_dma source(%dma_start3A_340 : memref<100000x768xf32, #tpu.memory_space<hbm>>) target(%dma_start3A_335 : memref<64x768xf32, #tpu.memory_space<vmem>>) offsets(%dma_start3A_337 : memref<64xi32, #tpu.memory_space<vmem>>) semaphore(%arg7 : memref<!tpu.dma_semaphore, #tpu.memory_space<semaphore_mem>>)
    %dma_wait3A_341 = arith.constant 0 : i32
    %dma_wait3A_342 = arith.constant 0 : i32
    %dma_wait3A_343 = arith.constant 0 : i32
    %dma_wait3A_344 = tpu.memref_slice %arg6[%dma_wait3A_341, %dma_wait3A_342, %dma_wait3A_343] : memref<2x64x768xf32, #tpu.memory_space<vmem>> -> memref<1x64x768xf32, #tpu.memory_space<vmem>>
    %dma_wait3A_345 = tpu.memref_squeeze %dma_wait3A_344 : memref<1x64x768xf32, #tpu.memory_space<vmem>> -> memref<64x768xf32, #tpu.memory_space<vmem>>
    %dma_wait3A_346 = arith.constant 384 : i32
    %dma_wait3A_347 = tpu.memref_slice %arg5[%dma_wait3A_346] : memref<512xi32, #tpu.memory_space<vmem>> -> memref<64xi32, #tpu.memory_space<vmem>>
    %dma_wait3A_348 = arith.constant 0 : i32
    %dma_wait3A_349 = arith.constant 0 : i32
    %dma_wait3A_350 = tpu.memref_slice %arg2[%dma_wait3A_348, %dma_wait3A_349] : memref<100000x768xf32, #tpu.memory_space<hbm>> -> memref<100000x768xf32, #tpu.memory_space<hbm>>
    tpu.wait_indirect_dma semaphore(%arg7 : memref<!tpu.dma_semaphore, #tpu.memory_space<semaphore_mem>>) src(%dma_wait3A_350 : memref<100000x768xf32, #tpu.memory_space<hbm>>) dst(%dma_wait3A_345 : memref<64x768xf32, #tpu.memory_space<vmem>>)
    %add3A_351 = arith.constant 384 : i32
    %add3A_352 = arith.addi %mul3A_2, %add3A_351 : i32
    %dma_start3A_353 = arith.constant 0 : i32
    %dma_start3A_354 = arith.constant 0 : i32
    %dma_start3A_355 = arith.constant 0 : i32
    %dma_start3A_356 = tpu.memref_slice %arg6[%dma_start3A_353, %dma_start3A_354, %dma_start3A_355] : memref<2x64x768xf32, #tpu.memory_space<vmem>> -> memref<1x64x768xf32, #tpu.memory_space<vmem>>
    %dma_start3A_357 = tpu.memref_squeeze %dma_start3A_356 : memref<1x64x768xf32, #tpu.memory_space<vmem>> -> memref<64x768xf32, #tpu.memory_space<vmem>>
    %dma_start3A_358 = arith.constant 0 : i32
    %dma_start3A_359 = tpu.memref_slice %arg4[%add3A_352, %dma_start3A_358] : memref<16384x768xf32, #tpu.memory_space<hbm>> -> memref<64x768xf32, #tpu.memory_space<hbm>>
    %dma_start3A_360 = arith.constant 0 : i32
    %dma_start3A_361 = tpu.memref_slice %arg4[%add3A_352, %dma_start3A_360] : memref<16384x768xf32, #tpu.memory_space<hbm>> -> memref<64x768xf32, #tpu.memory_space<hbm>>
    %dma_start3A_362 = arith.constant 0 : i32
    %dma_start3A_363 = arith.constant 0 : i32
    %dma_start3A_364 = tpu.memref_slice %arg6[%dma_start3A_353, %dma_start3A_362, %dma_start3A_363] : memref<2x64x768xf32, #tpu.memory_space<vmem>> -> memref<1x64x768xf32, #tpu.memory_space<vmem>>
    %dma_start3A_365 = tpu.memref_squeeze %dma_start3A_364 : memref<1x64x768xf32, #tpu.memory_space<vmem>> -> memref<64x768xf32, #tpu.memory_space<vmem>>
    tpu.enqueue_dma source(%dma_start3A_365 : memref<64x768xf32, #tpu.memory_space<vmem>>) target(%dma_start3A_361 : memref<64x768xf32, #tpu.memory_space<hbm>>) target_semaphore(%arg8 : memref<!tpu.dma_semaphore, #tpu.memory_space<semaphore_mem>>)
    %dma_wait3A_366 = arith.constant 1 : i32
    %dma_wait3A_367 = arith.constant 0 : i32
    %dma_wait3A_368 = arith.constant 0 : i32
    %dma_wait3A_369 = tpu.memref_slice %arg6[%dma_wait3A_366, %dma_wait3A_367, %dma_wait3A_368] : memref<2x64x768xf32, #tpu.memory_space<vmem>> -> memref<1x64x768xf32, #tpu.memory_space<vmem>>
    %dma_wait3A_370 = tpu.memref_squeeze %dma_wait3A_369 : memref<1x64x768xf32, #tpu.memory_space<vmem>> -> memref<64x768xf32, #tpu.memory_space<vmem>>
    %dma_wait3A_371 = arith.constant 448 : i32
    %dma_wait3A_372 = tpu.memref_slice %arg5[%dma_wait3A_371] : memref<512xi32, #tpu.memory_space<vmem>> -> memref<64xi32, #tpu.memory_space<vmem>>
    %dma_wait3A_373 = arith.constant 0 : i32
    %dma_wait3A_374 = arith.constant 0 : i32
    %dma_wait3A_375 = tpu.memref_slice %arg2[%dma_wait3A_373, %dma_wait3A_374] : memref<100000x768xf32, #tpu.memory_space<hbm>> -> memref<100000x768xf32, #tpu.memory_space<hbm>>
    tpu.wait_indirect_dma semaphore(%arg7 : memref<!tpu.dma_semaphore, #tpu.memory_space<semaphore_mem>>) src(%dma_wait3A_375 : memref<100000x768xf32, #tpu.memory_space<hbm>>) dst(%dma_wait3A_370 : memref<64x768xf32, #tpu.memory_space<vmem>>)
    %add3A_376 = arith.constant 448 : i32
    %add3A_377 = arith.addi %mul3A_2, %add3A_376 : i32
    %dma_start3A_378 = arith.constant 1 : i32
    %dma_start3A_379 = arith.constant 0 : i32
    %dma_start3A_380 = arith.constant 0 : i32
    %dma_start3A_381 = tpu.memref_slice %arg6[%dma_start3A_378, %dma_start3A_379, %dma_start3A_380] : memref<2x64x768xf32, #tpu.memory_space<vmem>> -> memref<1x64x768xf32, #tpu.memory_space<vmem>>
    %dma_start3A_382 = tpu.memref_squeeze %dma_start3A_381 : memref<1x64x768xf32, #tpu.memory_space<vmem>> -> memref<64x768xf32, #tpu.memory_space<vmem>>
    %dma_start3A_383 = arith.constant 0 : i32
    %dma_start3A_384 = tpu.memref_slice %arg4[%add3A_377, %dma_start3A_383] : memref<16384x768xf32, #tpu.memory_space<hbm>> -> memref<64x768xf32, #tpu.memory_space<hbm>>
    %dma_start3A_385 = arith.constant 0 : i32
    %dma_start3A_386 = tpu.memref_slice %arg4[%add3A_377, %dma_start3A_385] : memref<16384x768xf32, #tpu.memory_space<hbm>> -> memref<64x768xf32, #tpu.memory_space<hbm>>
    %dma_start3A_387 = arith.constant 0 : i32
    %dma_start3A_388 = arith.constant 0 : i32
    %dma_start3A_389 = tpu.memref_slice %arg6[%dma_start3A_378, %dma_start3A_387, %dma_start3A_388] : memref<2x64x768xf32, #tpu.memory_space<vmem>> -> memref<1x64x768xf32, #tpu.memory_space<vmem>>
    %dma_start3A_390 = tpu.memref_squeeze %dma_start3A_389 : memref<1x64x768xf32, #tpu.memory_space<vmem>> -> memref<64x768xf32, #tpu.memory_space<vmem>>
    tpu.enqueue_dma source(%dma_start3A_390 : memref<64x768xf32, #tpu.memory_space<vmem>>) target(%dma_start3A_386 : memref<64x768xf32, #tpu.memory_space<hbm>>) target_semaphore(%arg8 : memref<!tpu.dma_semaphore, #tpu.memory_space<semaphore_mem>>)
    %dma_wait3A_391 = arith.constant 0 : i32
    %dma_wait3A_392 = arith.constant 0 : i32
    %dma_wait3A_393 = arith.constant 0 : i32
    %dma_wait3A_394 = tpu.memref_slice %arg6[%dma_wait3A_391, %dma_wait3A_392, %dma_wait3A_393] : memref<2x64x768xf32, #tpu.memory_space<vmem>> -> memref<1x64x768xf32, #tpu.memory_space<vmem>>
    %dma_wait3A_395 = tpu.memref_squeeze %dma_wait3A_394 : memref<1x64x768xf32, #tpu.memory_space<vmem>> -> memref<64x768xf32, #tpu.memory_space<vmem>>
    %dma_wait3A_396 = arith.constant 0 : i32
    %dma_wait3A_397 = tpu.memref_slice %arg4[%add3A_352, %dma_wait3A_396] : memref<16384x768xf32, #tpu.memory_space<hbm>> -> memref<64x768xf32, #tpu.memory_space<hbm>>
    %dma_wait3A_398 = arith.constant 0 : i32
    %dma_wait3A_399 = tpu.memref_slice %arg4[%add3A_352, %dma_wait3A_398] : memref<16384x768xf32, #tpu.memory_space<hbm>> -> memref<64x768xf32, #tpu.memory_space<hbm>>
    %dma_wait3A_400 = arith.constant 0 : i32
    %dma_wait3A_401 = arith.constant 0 : i32
    %dma_wait3A_402 = tpu.memref_slice %arg6[%dma_wait3A_391, %dma_wait3A_400, %dma_wait3A_401] : memref<2x64x768xf32, #tpu.memory_space<vmem>> -> memref<1x64x768xf32, #tpu.memory_space<vmem>>
    %dma_wait3A_403 = tpu.memref_squeeze %dma_wait3A_402 : memref<1x64x768xf32, #tpu.memory_space<vmem>> -> memref<64x768xf32, #tpu.memory_space<vmem>>
    tpu.wait_dma2 semaphore(%arg8 : memref<!tpu.dma_semaphore, #tpu.memory_space<semaphore_mem>>) src(%dma_wait3A_403 : memref<64x768xf32, #tpu.memory_space<vmem>>) dst(%dma_wait3A_399 : memref<64x768xf32, #tpu.memory_space<hbm>>)
    %dma_wait3A_404 = arith.constant 1 : i32
    %dma_wait3A_405 = arith.constant 0 : i32
    %dma_wait3A_406 = arith.constant 0 : i32
    %dma_wait3A_407 = tpu.memref_slice %arg6[%dma_wait3A_404, %dma_wait3A_405, %dma_wait3A_406] : memref<2x64x768xf32, #tpu.memory_space<vmem>> -> memref<1x64x768xf32, #tpu.memory_space<vmem>>
    %dma_wait3A_408 = tpu.memref_squeeze %dma_wait3A_407 : memref<1x64x768xf32, #tpu.memory_space<vmem>> -> memref<64x768xf32, #tpu.memory_space<vmem>>
    %dma_wait3A_409 = arith.constant 0 : i32
    %dma_wait3A_410 = tpu.memref_slice %arg4[%add3A_377, %dma_wait3A_409] : memref<16384x768xf32, #tpu.memory_space<hbm>> -> memref<64x768xf32, #tpu.memory_space<hbm>>
    %dma_wait3A_411 = arith.constant 0 : i32
    %dma_wait3A_412 = tpu.memref_slice %arg4[%add3A_377, %dma_wait3A_411] : memref<16384x768xf32, #tpu.memory_space<hbm>> -> memref<64x768xf32, #tpu.memory_space<hbm>>
    %dma_wait3A_413 = arith.constant 0 : i32
    %dma_wait3A_414 = arith.constant 0 : i32
    %dma_wait3A_415 = tpu.memref_slice %arg6[%dma_wait3A_404, %dma_wait3A_413, %dma_wait3A_414] : memref<2x64x768xf32, #tpu.memory_space<vmem>> -> memref<1x64x768xf32, #tpu.memory_space<vmem>>
    %dma_wait3A_416 = tpu.memref_squeeze %dma_wait3A_415 : memref<1x64x768xf32, #tpu.memory_space<vmem>> -> memref<64x768xf32, #tpu.memory_space<vmem>>
    tpu.wait_dma2 semaphore(%arg8 : memref<!tpu.dma_semaphore, #tpu.memory_space<semaphore_mem>>) src(%dma_wait3A_416 : memref<64x768xf32, #tpu.memory_space<vmem>>) dst(%dma_wait3A_412 : memref<64x768xf32, #tpu.memory_space<hbm>>)
    return
  }
}

module attributes {stable_mosaic.version = 14 : i64} {
  func.func @_mask_body(%arg0: memref<4x4096xf32, #tpu.memory_space<vmem>>, %arg1: memref<4x1x1x4096xf32, #tpu.memory_space<vmem>>, %arg2: memref<4x12x4096xf32, #tpu.memory_space<vmem>>) attributes {dimension_semantics = [], scalar_prefetch = 0 : i64, scratch_operands = 0 : i64, tpu.core_type = #tpu.core_type<tc>} {
    %get3A = arith.constant 0 : index
    %get3A_0 = arith.constant 0 : index
    %get3A_1 = vector.load %arg0[%get3A, %get3A_0] : memref<4x4096xf32, #tpu.memory_space<vmem>>, vector<4x4096xf32>
    %sub3A = arith.constant 1.000000e+00 : f32
    %sub3A_2 = vector.broadcast %sub3A : f32 to vector<4x4096xf32>
    %sub3A_3 = arith.subf %sub3A_2, %get3A_1 : vector<4x4096xf32>
    %mul3A = arith.constant -1.000000e+04 : f32
    %mul3A_4 = vector.broadcast %mul3A : f32 to vector<4x4096xf32>
    %mul3A_5 = arith.mulf %sub3A_3, %mul3A_4 : vector<4x4096xf32>
    %broadcast_in_dim3A = vector.shape_cast %mul3A_5 : vector<4x4096xf32> to vector<4x1x1x4096xf32>
    %swap3A = arith.constant 0 : index
    %swap3A_6 = arith.constant 0 : index
    %swap3A_7 = arith.constant 0 : index
    %swap3A_8 = arith.constant 0 : index
    %swap3A_9 = vector.load %arg1[%swap3A, %swap3A_6, %swap3A_7, %swap3A_8] : memref<4x1x1x4096xf32, #tpu.memory_space<vmem>>, vector<4x1x1x4096xf32>
    tpu.vector_store %arg1[%swap3A, %swap3A_6, %swap3A_7, %swap3A_8], %broadcast_in_dim3A {strides = array<i32>} : memref<4x1x1x4096xf32, #tpu.memory_space<vmem>>, vector<4x1x1x4096xf32>,
    %broadcast_in_dim3A_10 = arith.constant 0.000000e+00 : f32
    %broadcast_in_dim3A_11 = vector.broadcast %broadcast_in_dim3A_10 : f32 to vector<4x12x4096xf32>
    %swap3A_12 = arith.constant 0 : index
    %swap3A_13 = arith.constant 0 : index
    %swap3A_14 = arith.constant 0 : index
    %swap3A_15 = vector.load %arg2[%swap3A_12, %swap3A_13, %swap3A_14] : memref<4x12x4096xf32, #tpu.memory_space<vmem>>, vector<4x12x4096xf32>
    tpu.vector_store %arg2[%swap3A_12, %swap3A_13, %swap3A_14], %broadcast_in_dim3A_11 {strides = array<i32>} : memref<4x12x4096xf32, #tpu.memory_space<vmem>>, vector<4x12x4096xf32>,
    return
  }
}

</mosaic_0001>

<sc_bundles>
// kernel: kernel.4.cloned.1.call-start
scs
__scs_entry_jumppad:
0x0: {  	(pc) =	sbr.rel $0x88, $3  }
0x1: {  	(tag) =	ssettag $0x0;
	lr =	simm.s32 $0x1  }
0x2: {  	[smem:$0x3F9E] =	sst lr;
	_ =	strace $0xD0000000  }
0x3: {  	_ = 	snop  }
0x4: {  	_ = 	snop  }
0x5: {  	_ = 	snop  }
0x6: {  	_ = 	snop  }
0x7: {  	_ = 	snop  }
__scs_overlays_trampoline_lowered:
0x8: {  	[smem:$0x3FAD] =	sst s0  }
0x9: {  	[smem:$0x3FAE] =	sst s1  }
0xa: {  	[smem:$0x3FAF] =	sst s2  }
0xb: {  	[smem:$0x3FB0] =	sst s3  }
0xc: {  	[smem:$0x3FB1] =	sst s4  }
0xd: {  	[smem:$0x3FB2] =	sst s5  }
0xe: {  	[smem:$0x3FB3] =	sst s6  }
0xf: {  	[smem:$0x3FB4] =	sst s7  }
0x10: {  	[smem:$0x3FB5] =	sst s8  }
0x11: {  	[smem:$0x3FB6] =	sst s9;
	s0 =	simm.s32 @!p0 $0x0  }
0x12: {  	s1 =	sld [smem:$0x3F9C];
	s0 =	simm.s32 @p0 $0x1  }
0x13: {  	[smem:$0x3FB7] =	sst s0;
	s0 =	simm.s32 @!p1 $0x0  }
0x14: {  	s2 =	sld [smem:$0x3F9B];
	s0 =	simm.s32 @p1 $0x1  }
0x15: {  	[smem:$0x3FB8] =	sst s0;
	s0 =	simm.s32 @!p2 $0x0  }
0x16: {  	s3 =	sld [smem:$0x3FDB];
	s0 =	simm.s32 @p2 $0x1  }
0x17: {  	s4 =	simm.s32 $0x1BF5;
	[smem:$0x3FBA] =	sst s0  }
0x18: {  	s0 =	sld [smem:$0x3F9D];
	_ =	swait.ge [sflag:s4], $0x0  }
0x19: {  	s7 =	sld [smem:$0x3F9E]  }
0x1a: {  	s8 =	sadd.s32 $0xFFFFE003, lr  }
0x1b: {  	s9 =	sadd.s32 $0xFFFFFEF7, lr;
	s5 =	simm.s32 $0xFFFFFFFF;
	p2 =	slt.u32 s8, $0xFFFFF086  }
0x1c: {  	p1 =	slt.u32 s9, $0xF7A;
	s5 =	simm.s32 @!p2 $0x0  }
0x1d: {  	s5 =	simm.s32 @p1 $0x1;
	p0 =	seq.s32 s7, s2  }
0x1e: {  	s7 =	smul.u32 @!p0 $0xF7A, s2;
	p2 =	seq.s32 @!p0 s5, $0x0  }
0x1f: {  	s9 =	smul.u32 $0xF7A, s1;
	s8 =	simm.s32 @!p0 $0x1BF5;
	p2 =	por !p2, p0  }
0x20: {  	[sflag:s8] =	ssyncset.s32 @!p0 $0xFFFFF086;
	s6 =	sadd.s32 @!p0 s3, s7;
	s7 =	simm.s32 @!p0 $0x108  }
0x21: {  	s3 =	sadd.s32 s3, s9;
	s6 =	sadd.s32 @!p0 $0x88, s6;
	s7 =	simm.s32 @p2 $0x1082  }
0x22: {  	[simem:s7], [sflag:s8] =	dma.local @!p0 [hbm:s6], $0xF7A  }
0x23: {  	s9 =	sor.u32 $0xD0000000, s2;
	s6 =	simm.s32 $0x108;
	_ =	swait.ge @!p0 [sflag:s8], $0x0  }
0x24: {  	s3 =	sadd.s32 $0x88, s3;
	s6 =	simm.s32 @!p1 $0x1082;
	[sflag:s4] =	ssyncset.s32 $0xFFFFF086  }
0x25: {  	[simem:s6], [sflag:s4] =	dma.local [hbm:s3], $0xF7A  }
0x26: {  	[smem:$0x3F9E] =	sst s1;
	(tag) =	ssettag s2;
	_ =	strace s9  }
0x27: {  	s1 =	sld [smem:$0x3FAE]  }
0x28: {  	s2 =	sld [smem:$0x3FAF]  }
0x29: {  	s4 =	sld [smem:$0x3FB1]  }
0x2a: {  	p0 =	seq.s32 s5, $0x0;
	s5 =	sld [smem:$0x3FB2]  }
0x2b: {  	s6 =	sld [smem:$0x3FB3]  }
0x2c: {  	s7 =	sld [smem:$0x3FB4]  }
0x2d: {  	s3 =	simm.s32 $0x108;
	s8 =	sld [smem:$0x3FB5]  }
0x2e: {  	s3 =	simm.s32 @!p0 $0x1082;
	s9 =	sld [smem:$0x3FB6]  }
0x2f: {  	lr =	sadd.s32 s0, s3;
	s0 =	sld [smem:$0x3FAD]  }
0x30: {  	s3 =	sld [smem:$0x3FB0]  }
0x31: {  	[smem:$0x3FB9] =	sst s10  }
0x32: {  	s10 =	sld [smem:$0x3FB7];
	_ =	sdelay $0x3  }
0x33: {  	p0 =	seq.s32 s10, $0x1;
	s10 =	sld [smem:$0x3FB9];
	_ =	sdelay $0x3  }
0x34: {  	[smem:$0x3FB9] =	sst s10  }
0x35: {  	s10 =	sld [smem:$0x3FB8];
	_ =	sdelay $0x3  }
0x36: {  	p1 =	seq.s32 s10, $0x1;
	s10 =	sld [smem:$0x3FB9];
	_ =	sdelay $0x3  }
0x37: {  	[smem:$0x3FB9] =	sst s10  }
0x38: {  	s10 =	sld [smem:$0x3FBA]  }
0x39: {  	_ = 	snop;
	(pc) =	sbr.ind lr, $3  }
0x3a: {  	_ = 	snop  }
0x3b: {  	_ = 	snop  }
0x3c: {  	p2 =	seq.s32 s10, $0x1;
	s10 =	sld [smem:$0x3FB9]  }
0x3d: {  	_ =	shalt  }
0x3e: {  	_ =	shalt  }
0x3f: {  	_ =	shalt  }
0x40: {  	_ =	shalt  }
0x41: {  	_ =	shalt  }
0x42: {  	_ =	shalt  }
0x43: {  	_ =	shalt  }
0x44: {  	_ =	shalt  }
0x45: {  	_ =	shalt  }
0x46: {  	_ =	shalt  }
0x47: {  	_ =	shalt  }
0x48: {  	_ =	shalt  }
0x49: {  	_ =	shalt  }
0x4a: {  	_ =	shalt  }
0x4b: {  	_ =	shalt  }
0x4c: {  	_ =	shalt  }
0x4d: {  	_ =	shalt  }
0x4e: {  	_ =	shalt  }
0x4f: {  	_ =	shalt  }
0x50: {  	_ =	shalt  }
0x51: {  	_ =	shalt  }
0x52: {  	_ =	shalt  }
0x53: {  	_ =	shalt  }
0x54: {  	_ =	shalt  }
0x55: {  	_ =	shalt  }
0x56: {  	_ =	shalt  }
0x57: {  	_ =	shalt  }
0x58: {  	_ =	shalt  }
0x59: {  	_ =	shalt  }
0x5a: {  	_ =	shalt  }
0x5b: {  	_ =	shalt  }
0x5c: {  	_ =	shalt  }
0x5d: {  	_ =	shalt  }
0x5e: {  	_ =	shalt  }
0x5f: {  	_ =	shalt  }
0x60: {  	_ =	shalt  }
0x61: {  	_ =	shalt  }
0x62: {  	_ =	shalt  }
0x63: {  	_ =	shalt  }
0x64: {  	_ =	shalt  }
0x65: {  	_ =	shalt  }
0x66: {  	_ =	shalt  }
0x67: {  	_ =	shalt  }
0x68: {  	_ =	shalt  }
0x69: {  	_ =	shalt  }
0x6a: {  	_ =	shalt  }
0x6b: {  	_ =	shalt  }
0x6c: {  	_ =	shalt  }
0x6d: {  	_ =	shalt  }
0x6e: {  	_ =	shalt  }
0x6f: {  	_ =	shalt  }
0x70: {  	_ =	shalt  }
0x71: {  	_ =	shalt  }
0x72: {  	_ =	shalt  }
0x73: {  	_ =	shalt  }
0x74: {  	_ =	shalt  }
0x75: {  	_ =	shalt  }
0x76: {  	_ =	shalt  }
0x77: {  	_ =	shalt  }
0x78: {  	_ =	shalt  }
0x79: {  	_ =	shalt  }
0x7a: {  	_ =	shalt  }
0x7b: {  	_ =	shalt  }
0x7c: {  	_ =	shalt  }
0x7d: {  	_ =	shalt  }
0x7e: {  	_ =	shalt  }
0x7f: {  	_ =	shalt  }
0x80: {  	_ =	shalt  }
0x81: {  	_ =	shalt  }
0x82: {  	_ =	shalt  }
0x83: {  	_ =	shalt  }
0x84: {  	_ =	shalt  }
0x85: {  	_ =	shalt  }
0x86: {  	_ =	shalt  }
0x87: {  	_ =	shalt  }
.Lfunc_end0:
.L_simem_size_0:
called_computation_lowered:
.L_overlay_start_0:
0x88: {  	s2 =	sld [smem:$0x3FD9]  }
0x89: {  	s3 =	sld [smem:$0x3FFE];
	_ =	sdelay $0x1  }
0x8a: {  	s1 =	srdreg.scid  }
0x8b: {  	s0 =	sand.u32 $0x1, s1  }
0x8c: {  	s15 =	sshll.u32 s0, $0xA;
	s2 =	sadd.s32 s3, s2  }
0x8d: {  	s2 =	sadd.s32 s2, s15  }
0x8e: {  	[smem:$0x3FC5] =	sst s2  }
0x8f: {  	_ = 	snop  }
0x90: {  	s2 =	sld [smem:$0x3FD0];
	_ =	sdelay $0x1  }
0x91: {  	s16 =	sld [smem:$0x3FC9]  }
0x92: {  	s5 =	simm.s32 $0xA;
	s6 =	simm.s32 $0x10;
	s4 =	sld [smem:$0x3FC7]  }
0x93: {  	[smem:s6], [sflag:s5] =	dma.local [hbm:s2], $0x1  }
0x94: {  	_ =	swait.eq [sflag:s5], $0x1  }
0x95: {  	[sflag:s5] =	ssyncset.done $0x0  }
0x96: {  	[sflag:s5] =	ssyncadd.s32 $0xFFFFFFFF  }
0x97: {  	s17 =	sld [smem:$0x10];
	(tm) =	ssettm $0x1  }
0x98: {  	s18 =	sld [smem:$0x3FFB];
	_ =	sdelay $0x3  }
0x99: {  	_ =	strace s18  }
0x9a: {  	s5 =	sld [smem:$0x3FFC];
	_ =	sdelay $0x3  }
0x9b: {  	_ =	strace s5  }
0x9c: {  	s5 =	sld [smem:$0x3FFD];
	_ =	sdelay $0x3  }
0x9d: {  	_ =	strace s5  }
0x9e: {  	_ =	strace $0x8FFFFFFF  }
0x9f: {  	s19 =	sld [smem:$0x3FDB];
	_ =	sdelay $0x1  }
0xa0: {  	s20 =	simm.s32 $_scs_section_size  }
0xa1: {  	s7 =	simm.s32 $_size__tile_overlayer_lowered;
	s8 =	simm.s32 $_tile_overlayer_lowered  }
0xa2: {  	s23 =	simm.s32 $0x1BFF;
	s22 =	sshll.u32 s8, $0x1;
	s5 =	sadd.s32 s20, s19  }
0xa3: {  	s9 =	simm.s32 $0x0;
	s21 =	sshll.u32 s7, $0x1;
	s7 =	sadd.s32 s22, s5  }
0xa4: {  	[timem:s9], [sflag:s23] =	dma.local [hbm:s7], s21  }
0xa5: {  	_ =	swait.ge [sflag:s23], s21  }
0xa6: {  	s6 =	ssub.s32 $0x0, s21;
	[sflag:s23] =	ssyncset.done $0x0  }
0xa7: {  	[sflag:s23] =	ssyncadd.s32 s6;
	_ =	sdelay $0x1  }
0xa8: {  	s24 =	simm.s32 $0x1B8B  }
0xa9: {  	_ =	swait.ge [sflag:s24], $0x1  }
0xaa: {  	[sflag:s24] =	ssyncset.done $0x0  }
0xab: {  	s25 =	simm.s32 $0x1B8E;
	[sflag:s24] =	ssyncadd.s32 $0xFFFFFFFF  }
0xac: {  	s26 =	simm.s32 $execute0_lowered;
	[smem:$0x3FD2] =	sst s25  }
0xad: {  	s6 =	sshll.u32 s26, $0x1;
	_ =	strace $0x80000046;
	[dreg:$0x1] =	wrdreg $0xFFFFFFFF  }
0xae: {  	s28 =	simm.s32 $_size_execute0_lowered;
	s5 =	sadd.s32 s5, s6;
	[dreg:$0x0] =	wrdreg $0x0  }
0xaf: {  	s6 =	sshll.u32 s28, $0x1;
	[dreg:$0x2] =	wrdreg s5  }
0xb0: {  	[dreg:$0x3] =	wrdreg s6  }
0xb1: {  	[dreg:$0x4] =	wrdreg $0xC0  }
0xb2: {  	_ =	task [dreg:s9], $0x5FFFF  }
0xb3: {  	[dreg:$0x1] =	wrdreg $0xFFFFFFFF  }
0xb4: {  	[dreg:$0x0] =	wrdreg $0x60  }
0xb5: {  	[dreg:$0x2] =	wrdreg s4  }
0xb6: {  	[dreg:$0x3] =	wrdreg s16  }
0xb7: {  	[dreg:$0x4] =	wrdreg s17  }
0xb8: {  	[dreg:$0x5] =	wrdreg $0x9  }
0xb9: {  	_ =	task.clear_ibuf [dreg:s9], $0x6FFFF;
	_ =	strace $0x90000046  }
0xba: {  	s29 =	simm.s32 $0x9;
	_ =	strace $0x80000048  }
0xbb: {  	_ =	swait.ge [sflag:s29], $0x1  }
0xbc: {  	[sflag:s29] =	ssyncadd.s32 $0xFFFFFFFF  }
0xbd: {  	_ =	strace $0x90000048  }
0xbe: {  	_ =	sfence  }
0xbf: {  	s30 =	sld [smem:$0x0];
	_ =	sdelay $0x2  }
0xc0: {  	s31 =	sshll.u32 s1, $0xD;
	s1 =	sshrl.u32 s1, $0x2  }
0xc1: {  	s3 =	sand.u32 $0x4000, s31;
	s1 =	sadd.s32 s1, s30  }
0xc2: {  	s0 =	sor.u32 s3, s0;
	s1 =	sshll.u32 s1, $0x11  }
0xc3: {  	s0 =	sor.u32 s1, s0  }
0xc4: {  	s0 =	sadd.s32 $0x8F2B, s0  }
0xc5: {  	[sflag:s0] =	ssyncadd.remote.s32 $0x1  }
0xc6: {  	_ =	sfence.sel $0xFFFF  }
0xc7: {  	[dreg:$0x0] =	wrdreg $0xFFFFFFFF;
	(pc) =	sbr.abs _section_cstart, $3  }
0xc8: {  	[dreg:$0x1] =	wrdreg $0xFFFFFFFF  }
0xc9: {  	_ =	task.clear_ibuf [dreg:s9], $0x2FFFF;
	_ =	strace $0x9FFFFFFF  }
0xca: {  	(tm) =	ssettm $0x7FFFFFFF  }
0xcb: {  	_ =	shalt  }
tec
execute0_lowered:
.L_overlay_start_1:
0x0: {  	(tag) =	ssettag $0x1  }
0x1: {  	s1 =	rddreg [dreg:$0x0]  }
0x2: {  	s0 =	rddreg [dreg:$0x1]  }
0x3: {  	s2 =	rddreg [dreg:$0x2]  }
0x4: {  	s4 =	srdreg.scid;
	s6 =	stileid.u32  }
0x5: {  	s3 =	simm.s32 $0x0;
	s31 =	simm.s32 $0x80;
	s13 =	simm.s32 $0xC200  }
0x6: {  	s9 =	simm.s32 $0x2;
	s4 =	sand.u32 $0x1, s4;
	s5 =	sshll.u32 s6, $0x1  }
0x7: {  	[smem:$0x7FF] =	sst s3;
	s6 =	sshll.u32 s6, $0x2;
	s5 =	sor.u32 s4, s5  }
0x8: {  	s6 =	sand.u32 $0x30, s6;
	_ =	strace $0x80000047;
	s7 =	sshll.u32 s5, $0x8  }
0x9: {  	s8 =	smul.u32 $0xC000, s5;
	s0 =	sadd.s32 s0, s6;
	s7 =	sand.u32 $0x700, s7  }
0xa: {  	[dreg:$0xc] =	wrdreg s31;
	s5 =	smul.u32 $0x60000, s5;
	s0 =	sadd.s32 s7, s0  }
0xb: {  	s4 =	ssub.s32 $0x2, s4;
	s21 =	sadd.s32 s2, s8;
	[dreg:$0x4] =	wrdreg s0  }
0xc: {  	s5 =	sshrl.u32 s5, $0x3;
	s22 =	sadd.s32 $0x1800, s21;
	[dreg:$0xd] =	wrdreg s21  }
0xd: {  	s23 =	sadd.s32 $0x3000, s21;
	s2 =	sadd.s32 s2, s5;
	[dreg:$0x5] =	wrdreg s22  }
0xe: {  	s28 =	sshrl.u32 s4, $0x1;
	[dreg:$0x6] =	wrdreg s23;
	s24 =	sadd.s32 $0x4800, s2  }
0xf: {  	s6 =	sadd.s32 $0x200, s1;
	s25 =	sadd.s32 $0x6000, s2;
	[dreg:$0x7] =	wrdreg s24  }
0x10: {  	s4 =	ssub.s32 s4, s28;
	s26 =	sadd.s32 $0x7800, s2;
	[dreg:$0x8] =	wrdreg s25  }
0x11: {  	v2 =	vlaneseq.u32;
	s7 =	smax.u32 s4, $0x1;
	s29 =	sadd.s32 $0x9000, s2;
	[dreg:$0x9] =	wrdreg s26  }
0x12: {  	vm0 =	vmmov $0xffff;
	v1 =	vshrl.u32 v2, $0x3;
	s8 =	simm.s32 $0x200;
	s30 =	sadd.s32 $0xA800, s2;
	[dreg:$0xa] =	wrdreg s29  }
0x13: {  	v0 =	vand.u32 $0x7, v2;
	v2 =	vor.u32 $0x8, v2;
	v1 =	vmul.u32 $0x8, v1;
	s5 =	sadd.s32 $0x100, s1;
	s2 =	simm.s32 $0x1;
	[dreg:$0xb] =	wrdreg s30  }
.LBB2_1:
0x14: {  	s10 =	rddreg [dreg:$0x4]  }
0x15: {  	s11 =	rddreg [dreg:$0xc];
	s12 =	simm.s32 $0x3  }
0x16: {  	[tilespmem:s3], [sflag:$0x3] =	stream.strided.gather [hbm4b:s10+s11], $0x200, s8, s11, $0x38;
	[tilespmem:$0x18200] =	vst v63  }
0x17: {  	_ =	swait.ge [sflag:s12], $0x200  }
0x18: {  	[sflag:s12] =	ssyncset.done $0x0  }
0x19: {  	[sflag:s12] =	ssyncadd.s32 $0xFFFFFE00  }
0x1a: {  	v3 =	vld [tilespmem:$0x0];
	_ =	sdelay $0x4  }
0x1b: {  	v4 =	vshrl.u32 v3, $0x3  }
0x1c: {  	v4 =	vmul.u32 $0x30, v4  }
0x1d: {  	v3 =	vand.u32 $0x7, v3  }
0x1e: {  	v3 =	vor.u32 v3, v4  }
0x1f: {  	v4 =	vperm.xlane v3, v0;
	_ =	sdelay $0x1  }
0x20: {  	v4 =	vadd.s32 v1, v4;
	_ =	sdelay $0x3  }
0x21: {  	v3 =	vperm.xlane v3, v2  }
0x22: {  	[tilespmem:s8], [sflag:$0x1] =	stream.indirect_vreg.gather [hbm4b:s1+s3], $0x80, v4, vm0, $0xb8;
	[tilespmem:$0x18200] =	vst v63  }
0x23: {  	s0 =	simm.s32 $0xA00;
	v3 =	vadd.s32 v1, v3  }
0x24: {  	[tilespmem:s0], [sflag:$0x1] =	stream.indirect_vreg.gather [hbm4b:s5+s3], $0x80, v4, vm0, $0xb8;
	[tilespmem:$0x18200] =	vst v63  }
0x25: {  	s14 =	simm.s32 $0x1200  }
0x26: {  	[tilespmem:s14], [sflag:$0x1] =	stream.indirect_vreg.gather [hbm4b:s6+s3], $0x80, v4, vm0, $0xb8;
	[tilespmem:$0x18200] =	vst v63  }
0x27: {  	s15 =	simm.s32 $0x1A00  }
0x28: {  	[tilespmem:s15], [sflag:$0x1] =	stream.indirect_vreg.gather [hbm4b:s1+s3], $0x80, v3, vm0, $0xb8;
	[tilespmem:$0x18200] =	vst v63  }
0x29: {  	s16 =	simm.s32 $0x2200  }
0x2a: {  	[tilespmem:s16], [sflag:$0x1] =	stream.indirect_vreg.gather [hbm4b:s5+s3], $0x80, v3, vm0, $0xb8;
	[tilespmem:$0x18200] =	vst v63  }
0x2b: {  	s17 =	simm.s32 $0x2A00  }
0x2c: {  	[tilespmem:s17], [sflag:$0x1] =	stream.indirect_vreg.gather [hbm4b:s6+s3], $0x80, v3, vm0, $0xb8;
	[tilespmem:$0x18200] =	vst v63  }
0x2d: {  	v3 =	vld [tilespmem:$0x10];
	_ =	sdelay $0x4  }
0x2e: {  	v33 =	vshrl.u32 v3, $0x3  }
0x2f: {  	v4 =	vmul.u32 $0x30, v33  }
0x30: {  	v3 =	vand.u32 $0x7, v3  }
0x31: {  	v3 =	vor.u32 v3, v4  }
0x32: {  	v4 =	vperm.xlane v3, v0;
	_ =	sdelay $0x1  }
0x33: {  	v4 =	vadd.s32 v1, v4;
	_ =	sdelay $0x3  }
0x34: {  	s18 =	simm.s32 $0x3200;
	v3 =	vperm.xlane v3, v2  }
0x35: {  	[tilespmem:s18], [sflag:$0x1] =	stream.indirect_vreg.gather [hbm4b:s1+s3], $0x80, v4, vm0, $0xb8;
	[tilespmem:$0x18200] =	vst v63  }
0x36: {  	s19 =	simm.s32 $0x3A00;
	v3 =	vadd.s32 v1, v3  }
0x37: {  	[tilespmem:s19], [sflag:$0x1] =	stream.indirect_vreg.gather [hbm4b:s5+s3], $0x80, v4, vm0, $0xb8;
	[tilespmem:$0x18200] =	vst v63  }
0x38: {  	s21 =	simm.s32 $0x4200  }
0x39: {  	[tilespmem:s21], [sflag:$0x1] =	stream.indirect_vreg.gather [hbm4b:s6+s3], $0x80, v4, vm0, $0xb8;
	[tilespmem:$0x18200] =	vst v63  }
0x3a: {  	s22 =	simm.s32 $0x4A00  }
0x3b: {  	[tilespmem:s22], [sflag:$0x1] =	stream.indirect_vreg.gather [hbm4b:s1+s3], $0x80, v3, vm0, $0xb8;
	[tilespmem:$0x18200] =	vst v63  }
0x3c: {  	s23 =	simm.s32 $0x5200  }
0x3d: {  	[tilespmem:s23], [sflag:$0x1] =	stream.indirect_vreg.gather [hbm4b:s5+s3], $0x80, v3, vm0, $0xb8;
	[tilespmem:$0x18200] =	vst v63  }
0x3e: {  	s24 =	simm.s32 $0x5A00  }
0x3f: {  	[tilespmem:s24], [sflag:$0x1] =	stream.indirect_vreg.gather [hbm4b:s6+s3], $0x80, v3, vm0, $0xb8;
	[tilespmem:$0x18200] =	vst v63  }
0x40: {  	v3 =	vld [tilespmem:$0x20];
	_ =	sdelay $0x4  }
0x41: {  	v34 =	vshrl.u32 v3, $0x3  }
0x42: {  	v4 =	vmul.u32 $0x30, v34  }
0x43: {  	v3 =	vand.u32 $0x7, v3  }
0x44: {  	v3 =	vor.u32 v3, v4  }
0x45: {  	v4 =	vperm.xlane v3, v0;
	_ =	sdelay $0x1  }
0x46: {  	v4 =	vadd.s32 v1, v4;
	_ =	sdelay $0x3  }
0x47: {  	s25 =	simm.s32 $0x6200;
	v3 =	vperm.xlane v3, v2  }
0x48: {  	[tilespmem:s25], [sflag:$0x1] =	stream.indirect_vreg.gather [hbm4b:s1+s3], $0x80, v4, vm0, $0xb8;
	[tilespmem:$0x18200] =	vst v63  }
0x49: {  	s26 =	simm.s32 $0x6A00;
	v3 =	vadd.s32 v1, v3  }
0x4a: {  	[tilespmem:s26], [sflag:$0x1] =	stream.indirect_vreg.gather [hbm4b:s5+s3], $0x80, v4, vm0, $0xb8;
	[tilespmem:$0x18200] =	vst v63  }
0x4b: {  	s28 =	simm.s32 $0x7200  }
0x4c: {  	[tilespmem:s28], [sflag:$0x1] =	stream.indirect_vreg.gather [hbm4b:s6+s3], $0x80, v4, vm0, $0xb8;
	[tilespmem:$0x18200] =	vst v63  }
0x4d: {  	s29 =	simm.s32 $0x7A00  }
0x4e: {  	[tilespmem:s29], [sflag:$0x1] =	stream.indirect_vreg.gather [hbm4b:s1+s3], $0x80, v3, vm0, $0xb8;
	[tilespmem:$0x18200] =	vst v63  }
0x4f: {  	s30 =	simm.s32 $0x8200  }
0x50: {  	[tilespmem:s30], [sflag:$0x1] =	stream.indirect_vreg.gather [hbm4b:s5+s3], $0x80, v3, vm0, $0xb8;
	[tilespmem:$0x18200] =	vst v63  }
0x51: {  	s31 =	simm.s32 $0x8A00  }
0x52: {  	[tilespmem:s31], [sflag:$0x1] =	stream.indirect_vreg.gather [hbm4b:s6+s3], $0x80, v3, vm0, $0xb8;
	[tilespmem:$0x18200] =	vst v63  }
0x53: {  	v3 =	vld [tilespmem:$0x30];
	_ =	sdelay $0x4  }
0x54: {  	v35 =	vshrl.u32 v3, $0x3  }
0x55: {  	v4 =	vmul.u32 $0x30, v35  }
0x56: {  	v3 =	vand.u32 $0x7, v3  }
0x57: {  	v3 =	vor.u32 v3, v4  }
0x58: {  	v4 =	vperm.xlane v3, v0;
	_ =	sdelay $0x1  }
0x59: {  	v4 =	vadd.s32 v1, v4;
	_ =	sdelay $0x3  }
0x5a: {  	s4 =	simm.s32 $0x9200;
	v3 =	vperm.xlane v3, v2  }
0x5b: {  	[tilespmem:s4], [sflag:$0x1] =	stream.indirect_vreg.gather [hbm4b:s1+s3], $0x80, v4, vm0, $0xb8;
	[tilespmem:$0x18200] =	vst v63  }
0x5c: {  	s10 =	simm.s32 $0x9A00;
	v3 =	vadd.s32 v1, v3  }
0x5d: {  	[tilespmem:s10], [sflag:$0x1] =	stream.indirect_vreg.gather [hbm4b:s5+s3], $0x80, v4, vm0, $0xb8;
	[tilespmem:$0x18200] =	vst v63  }
0x5e: {  	s11 =	simm.s32 $0xA200  }
0x5f: {  	[tilespmem:s11], [sflag:$0x1] =	stream.indirect_vreg.gather [hbm4b:s6+s3], $0x80, v4, vm0, $0xb8;
	[tilespmem:$0x18200] =	vst v63  }
0x60: {  	s14 =	simm.s32 $0xAA00  }
0x61: {  	[tilespmem:s14], [sflag:$0x1] =	stream.indirect_vreg.gather [hbm4b:s1+s3], $0x80, v3, vm0, $0xb8;
	[tilespmem:$0x18200] =	vst v63  }
0x62: {  	s15 =	simm.s32 $0xB200  }
0x63: {  	[tilespmem:s15], [sflag:$0x1] =	stream.indirect_vreg.gather [hbm4b:s5+s3], $0x80, v3, vm0, $0xb8;
	[tilespmem:$0x18200] =	vst v63  }
0x64: {  	s16 =	simm.s32 $0xBA00  }
0x65: {  	[tilespmem:s16], [sflag:$0x1] =	stream.indirect_vreg.gather [hbm4b:s6+s3], $0x80, v3, vm0, $0xb8;
	[tilespmem:$0x18200] =	vst v63  }
0x66: {  	v3 =	vld [tilespmem:$0x40];
	_ =	sdelay $0x4  }
0x67: {  	v36 =	vshrl.u32 v3, $0x3  }
0x68: {  	v4 =	vmul.u32 $0x30, v36  }
0x69: {  	v3 =	vand.u32 $0x7, v3  }
0x6a: {  	v3 =	vor.u32 v3, v4  }
0x6b: {  	v4 =	vperm.xlane v3, v0;
	_ =	sdelay $0x1  }
0x6c: {  	v4 =	vadd.s32 v1, v4;
	_ =	sdelay $0x3  }
0x6d: {  	v3 =	vperm.xlane v3, v2  }
0x6e: {  	[tilespmem:s13], [sflag:$0x1] =	stream.indirect_vreg.gather [hbm4b:s1+s3], $0x80, v4, vm0, $0xb8;
	[tilespmem:$0x18200] =	vst v63  }
0x6f: {  	s17 =	simm.s32 $0xCA00;
	v3 =	vadd.s32 v1, v3  }
0x70: {  	[tilespmem:s17], [sflag:$0x1] =	stream.indirect_vreg.gather [hbm4b:s5+s3], $0x80, v4, vm0, $0xb8;
	[tilespmem:$0x18200] =	vst v63  }
0x71: {  	s18 =	simm.s32 $0xD200  }
0x72: {  	[tilespmem:s18], [sflag:$0x1] =	stream.indirect_vreg.gather [hbm4b:s6+s3], $0x80, v4, vm0, $0xb8;
	[tilespmem:$0x18200] =	vst v63  }
0x73: {  	s19 =	simm.s32 $0xDA00  }
0x74: {  	[tilespmem:s19], [sflag:$0x1] =	stream.indirect_vreg.gather [hbm4b:s1+s3], $0x80, v3, vm0, $0xb8;
	[tilespmem:$0x18200] =	vst v63  }
0x75: {  	s21 =	simm.s32 $0xE200  }
0x76: {  	[tilespmem:s21], [sflag:$0x1] =	stream.indirect_vreg.gather [hbm4b:s5+s3], $0x80, v3, vm0, $0xb8;
	[tilespmem:$0x18200] =	vst v63  }
0x77: {  	s22 =	simm.s32 $0xEA00  }
0x78: {  	[tilespmem:s22], [sflag:$0x1] =	stream.indirect_vreg.gather [hbm4b:s6+s3], $0x80, v3, vm0, $0xb8;
	[tilespmem:$0x18200] =	vst v63  }
0x79: {  	v3 =	vld [tilespmem:$0x50];
	_ =	sdelay $0x4  }
0x7a: {  	v37 =	vshrl.u32 v3, $0x3  }
0x7b: {  	v4 =	vmul.u32 $0x30, v37  }
0x7c: {  	v3 =	vand.u32 $0x7, v3  }
0x7d: {  	v3 =	vor.u32 v3, v4  }
0x7e: {  	v4 =	vperm.xlane v3, v0;
	_ =	sdelay $0x1  }
0x7f: {  	v4 =	vadd.s32 v1, v4;
	_ =	sdelay $0x3  }
0x80: {  	s23 =	simm.s32 $0xF200;
	v3 =	vperm.xlane v3, v2  }
0x81: {  	[tilespmem:s23], [sflag:$0x1] =	stream.indirect_vreg.gather [hbm4b:s1+s3], $0x80, v4, vm0, $0xb8;
	[tilespmem:$0x18200] =	vst v63  }
0x82: {  	s26 =	simm.s32 $0xFA00;
	v3 =	vadd.s32 v1, v3  }
0x83: {  	[tilespmem:s26], [sflag:$0x1] =	stream.indirect_vreg.gather [hbm4b:s5+s3], $0x80, v4, vm0, $0xb8;
	[tilespmem:$0x18200] =	vst v63  }
0x84: {  	s28 =	simm.s32 $0x10200  }
0x85: {  	[tilespmem:s28], [sflag:$0x1] =	stream.indirect_vreg.gather [hbm4b:s6+s3], $0x80, v4, vm0, $0xb8;
	[tilespmem:$0x18200] =	vst v63  }
0x86: {  	s31 =	simm.s32 $0x10A00  }
0x87: {  	[tilespmem:s31], [sflag:$0x1] =	stream.indirect_vreg.gather [hbm4b:s1+s3], $0x80, v3, vm0, $0xb8;
	[tilespmem:$0x18200] =	vst v63  }
0x88: {  	s0 =	simm.s32 $0x11200  }
0x89: {  	[tilespmem:s0], [sflag:$0x1] =	stream.indirect_vreg.gather [hbm4b:s5+s3], $0x80, v3, vm0, $0xb8;
	[tilespmem:$0x18200] =	vst v63  }
0x8a: {  	s4 =	simm.s32 $0x11A00  }
0x8b: {  	[tilespmem:s4], [sflag:$0x1] =	stream.indirect_vreg.gather [hbm4b:s6+s3], $0x80, v3, vm0, $0xb8;
	[tilespmem:$0x18200] =	vst v63  }
0x8c: {  	v3 =	vld [tilespmem:$0x60];
	_ =	sdelay $0x4  }
0x8d: {  	v38 =	vshrl.u32 v3, $0x3  }
0x8e: {  	v4 =	vmul.u32 $0x30, v38  }
0x8f: {  	v3 =	vand.u32 $0x7, v3  }
0x90: {  	v3 =	vor.u32 v3, v4  }
0x91: {  	v4 =	vperm.xlane v3, v0;
	_ =	sdelay $0x1  }
0x92: {  	v4 =	vadd.s32 v1, v4;
	_ =	sdelay $0x3  }
0x93: {  	s14 =	simm.s32 $0x12200;
	v3 =	vperm.xlane v3, v2  }
0x94: {  	[tilespmem:s14], [sflag:$0x1] =	stream.indirect_vreg.gather [hbm4b:s1+s3], $0x80, v4, vm0, $0xb8;
	[tilespmem:$0x18200] =	vst v63  }
0x95: {  	s15 =	simm.s32 $0x12A00;
	v3 =	vadd.s32 v1, v3  }
0x96: {  	[tilespmem:s15], [sflag:$0x1] =	stream.indirect_vreg.gather [hbm4b:s5+s3], $0x80, v4, vm0, $0xb8;
	[tilespmem:$0x18200] =	vst v63  }
0x97: {  	s16 =	simm.s32 $0x13200  }
0x98: {  	[tilespmem:s16], [sflag:$0x1] =	stream.indirect_vreg.gather [hbm4b:s6+s3], $0x80, v4, vm0, $0xb8;
	[tilespmem:$0x18200] =	vst v63  }
0x99: {  	s18 =	simm.s32 $0x13A00  }
0x9a: {  	[tilespmem:s18], [sflag:$0x1] =	stream.indirect_vreg.gather [hbm4b:s1+s3], $0x80, v3, vm0, $0xb8;
	[tilespmem:$0x18200] =	vst v63  }
0x9b: {  	s19 =	simm.s32 $0x14200  }
0x9c: {  	[tilespmem:s19], [sflag:$0x1] =	stream.indirect_vreg.gather [hbm4b:s5+s3], $0x80, v3, vm0, $0xb8;
	[tilespmem:$0x18200] =	vst v63  }
0x9d: {  	s21 =	simm.s32 $0x14A00  }
0x9e: {  	[tilespmem:s21], [sflag:$0x1] =	stream.indirect_vreg.gather [hbm4b:s6+s3], $0x80, v3, vm0, $0xb8;
	[tilespmem:$0x18200] =	vst v63  }
0x9f: {  	v3 =	vld [tilespmem:$0x70];
	_ =	sdelay $0x4  }
0xa0: {  	v39 =	vshrl.u32 v3, $0x3  }
0xa1: {  	v4 =	vmul.u32 $0x30, v39  }
0xa2: {  	v3 =	vand.u32 $0x7, v3  }
0xa3: {  	v3 =	vor.u32 v3, v4  }
0xa4: {  	v4 =	vperm.xlane v3, v0;
	_ =	sdelay $0x1  }
0xa5: {  	v4 =	vadd.s32 v1, v4;
	_ =	sdelay $0x3  }
0xa6: {  	s22 =	simm.s32 $0x15200;
	v3 =	vperm.xlane v3, v2  }
0xa7: {  	[tilespmem:s22], [sflag:$0x1] =	stream.indirect_vreg.gather [hbm4b:s1+s3], $0x80, v4, vm0, $0xb8;
	[tilespmem:$0x18200] =	vst v63  }
0xa8: {  	s23 =	simm.s32 $0x15A00;
	v3 =	vadd.s32 v1, v3  }
0xa9: {  	[tilespmem:s23], [sflag:$0x1] =	stream.indirect_vreg.gather [hbm4b:s5+s3], $0x80, v4, vm0, $0xb8;
	[tilespmem:$0x18200] =	vst v63  }
0xaa: {  	s26 =	simm.s32 $0x16200  }
0xab: {  	[tilespmem:s26], [sflag:$0x1] =	stream.indirect_vreg.gather [hbm4b:s6+s3], $0x80, v4, vm0, $0xb8;
	[tilespmem:$0x18200] =	vst v63  }
0xac: {  	s28 =	simm.s32 $0x16A00  }
0xad: {  	[tilespmem:s28], [sflag:$0x1] =	stream.indirect_vreg.gather [hbm4b:s1+s3], $0x80, v3, vm0, $0xb8;
	[tilespmem:$0x18200] =	vst v63  }
0xae: {  	s31 =	simm.s32 $0x17200  }
0xaf: {  	[tilespmem:s31], [sflag:$0x1] =	stream.indirect_vreg.gather [hbm4b:s5+s3], $0x80, v3, vm0, $0xb8;
	[tilespmem:$0x18200] =	vst v63  }
0xb0: {  	s0 =	simm.s32 $0x17A00  }
0xb1: {  	[tilespmem:s0], [sflag:$0x1] =	stream.indirect_vreg.gather [hbm4b:s6+s3], $0x80, v3, vm0, $0xb8;
	[tilespmem:$0x18200] =	vst v63  }
0xb2: {  	_ =	swait.ge [sflag:s2], $0xC000  }
0xb3: {  	[sflag:s2] =	ssyncset.done $0x0  }
0xb4: {  	s4 =	rddreg [dreg:$0xd];
	[sflag:s2] =	ssyncadd.s32 $0xFFFF4000  }
0xb5: {  	[hbm4b:s4+s3] =	stream.linear.scatter [tilespmem:s8], [sflag:$0x2], $0xC000, $0x38;
	[tilespmem:$0x18200] =	vst v63  }
0xb6: {  	_ =	swait.ge [sflag:s9], $0xC000  }
0xb7: {  	[sflag:s9] =	ssyncset.done $0x0  }
0xb8: {  	[sflag:s9] =	ssyncadd.s32 $0xFFFF4000  }
0xb9: {  	v3 =	vld [tilespmem:$0x80];
	_ =	sdelay $0x4  }
0xba: {  	v40 =	vshrl.u32 v3, $0x3  }
0xbb: {  	v4 =	vmul.u32 $0x30, v40  }
0xbc: {  	v3 =	vand.u32 $0x7, v3  }
0xbd: {  	v3 =	vor.u32 v3, v4  }
0xbe: {  	v4 =	vperm.xlane v3, v0;
	_ =	sdelay $0x1  }
0xbf: {  	v4 =	vadd.s32 v1, v4;
	_ =	sdelay $0x3  }
0xc0: {  	v3 =	vperm.xlane v3, v2  }
0xc1: {  	[tilespmem:s8], [sflag:$0x1] =	stream.indirect_vreg.gather [hbm4b:s1+s3], $0x80, v4, vm0, $0xb8;
	[tilespmem:$0x18200] =	vst v63  }
0xc2: {  	s0 =	simm.s32 $0xA00;
	v3 =	vadd.s32 v1, v3  }
0xc3: {  	[tilespmem:s0], [sflag:$0x1] =	stream.indirect_vreg.gather [hbm4b:s5+s3], $0x80, v4, vm0, $0xb8;
	[tilespmem:$0x18200] =	vst v63  }
0xc4: {  	s4 =	simm.s32 $0x1200  }
0xc5: {  	[tilespmem:s4], [sflag:$0x1] =	stream.indirect_vreg.gather [hbm4b:s6+s3], $0x80, v4, vm0, $0xb8;
	[tilespmem:$0x18200] =	vst v63  }
0xc6: {  	s18 =	simm.s32 $0x1A00  }
0xc7: {  	[tilespmem:s18], [sflag:$0x1] =	stream.indirect_vreg.gather [hbm4b:s1+s3], $0x80, v3, vm0, $0xb8;
	[tilespmem:$0x18200] =	vst v63  }
0xc8: {  	s19 =	simm.s32 $0x2200  }
0xc9: {  	[tilespmem:s19], [sflag:$0x1] =	stream.indirect_vreg.gather [hbm4b:s5+s3], $0x80, v3, vm0, $0xb8;
	[tilespmem:$0x18200] =	vst v63  }
0xca: {  	s12 =	simm.s32 $0x2A00  }
0xcb: {  	[tilespmem:s12], [sflag:$0x1] =	stream.indirect_vreg.gather [hbm4b:s6+s3], $0x80, v3, vm0, $0xb8;
	[tilespmem:$0x18200] =	vst v63  }
0xcc: {  	v3 =	vld [tilespmem:$0x90];
	_ =	sdelay $0x4  }
0xcd: {  	v41 =	vshrl.u32 v3, $0x3  }
0xce: {  	v4 =	vmul.u32 $0x30, v41  }
0xcf: {  	v3 =	vand.u32 $0x7, v3  }
0xd0: {  	v3 =	vor.u32 v3, v4  }
0xd1: {  	v4 =	vperm.xlane v3, v0;
	_ =	sdelay $0x1  }
0xd2: {  	v4 =	vadd.s32 v1, v4;
	_ =	sdelay $0x3  }
0xd3: {  	s20 =	simm.s32 $0x3200;
	v3 =	vperm.xlane v3, v2  }
0xd4: {  	[tilespmem:s20], [sflag:$0x1] =	stream.indirect_vreg.gather [hbm4b:s1+s3], $0x80, v4, vm0, $0xb8;
	[tilespmem:$0x18200] =	vst v63  }
0xd5: {  	v3 =	vadd.s32 v1, v3;
	s20 =	simm.s32 $0x3A00  }
0xd6: {  	[tilespmem:s20], [sflag:$0x1] =	stream.indirect_vreg.gather [hbm4b:s5+s3], $0x80, v4, vm0, $0xb8;
	[tilespmem:$0x18200] =	vst v63  }
0xd7: {  	s21 =	simm.s32 $0x4200  }
0xd8: {  	[tilespmem:s21], [sflag:$0x1] =	stream.indirect_vreg.gather [hbm4b:s6+s3], $0x80, v4, vm0, $0xb8;
	[tilespmem:$0x18200] =	vst v63  }
0xd9: {  	s22 =	simm.s32 $0x4A00  }
0xda: {  	[tilespmem:s22], [sflag:$0x1] =	stream.indirect_vreg.gather [hbm4b:s1+s3], $0x80, v3, vm0, $0xb8;
	[tilespmem:$0x18200] =	vst v63  }
0xdb: {  	s23 =	simm.s32 $0x5200  }
0xdc: {  	[tilespmem:s23], [sflag:$0x1] =	stream.indirect_vreg.gather [hbm4b:s5+s3], $0x80, v3, vm0, $0xb8;
	[tilespmem:$0x18200] =	vst v63  }
0xdd: {  	s24 =	simm.s32 $0x5A00  }
0xde: {  	[tilespmem:s24], [sflag:$0x1] =	stream.indirect_vreg.gather [hbm4b:s6+s3], $0x80, v3, vm0, $0xb8;
	[tilespmem:$0x18200] =	vst v63  }
0xdf: {  	v3 =	vld [tilespmem:$0xA0];
	_ =	sdelay $0x4  }
0xe0: {  	v42 =	vshrl.u32 v3, $0x3  }
0xe1: {  	v4 =	vmul.u32 $0x30, v42  }
0xe2: {  	v3 =	vand.u32 $0x7, v3  }
0xe3: {  	v3 =	vor.u32 v3, v4  }
0xe4: {  	v4 =	vperm.xlane v3, v0;
	_ =	sdelay $0x1  }
0xe5: {  	v4 =	vadd.s32 v1, v4;
	_ =	sdelay $0x3  }
0xe6: {  	s25 =	simm.s32 $0x6200;
	v3 =	vperm.xlane v3, v2  }
0xe7: {  	[tilespmem:s25], [sflag:$0x1] =	stream.indirect_vreg.gather [hbm4b:s1+s3], $0x80, v4, vm0, $0xb8;
	[tilespmem:$0x18200] =	vst v63  }
0xe8: {  	s24 =	simm.s32 $0x6A00;
	v3 =	vadd.s32 v1, v3  }
0xe9: {  	[tilespmem:s24], [sflag:$0x1] =	stream.indirect_vreg.gather [hbm4b:s5+s3], $0x80, v4, vm0, $0xb8;
	[tilespmem:$0x18200] =	vst v63  }
0xea: {  	s25 =	simm.s32 $0x7200  }
0xeb: {  	[tilespmem:s25], [sflag:$0x1] =	stream.indirect_vreg.gather [hbm4b:s6+s3], $0x80, v4, vm0, $0xb8;
	[tilespmem:$0x18200] =	vst v63  }
0xec: {  	s26 =	simm.s32 $0x7A00  }
0xed: {  	[tilespmem:s26], [sflag:$0x1] =	stream.indirect_vreg.gather [hbm4b:s1+s3], $0x80, v3, vm0, $0xb8;
	[tilespmem:$0x18200] =	vst v63  }
0xee: {  	s28 =	simm.s32 $0x8200  }
0xef: {  	[tilespmem:s28], [sflag:$0x1] =	stream.indirect_vreg.gather [hbm4b:s5+s3], $0x80, v3, vm0, $0xb8;
	[tilespmem:$0x18200] =	vst v63  }
0xf0: {  	s29 =	simm.s32 $0x8A00  }
0xf1: {  	[tilespmem:s29], [sflag:$0x1] =	stream.indirect_vreg.gather [hbm4b:s6+s3], $0x80, v3, vm0, $0xb8;
	[tilespmem:$0x18200] =	vst v63  }
0xf2: {  	v3 =	vld [tilespmem:$0xB0];
	_ =	sdelay $0x4  }
0xf3: {  	v43 =	vshrl.u32 v3, $0x3  }
0xf4: {  	v4 =	vmul.u32 $0x30, v43  }
0xf5: {  	v3 =	vand.u32 $0x7, v3  }
0xf6: {  	v3 =	vor.u32 v3, v4  }
0xf7: {  	v4 =	vperm.xlane v3, v0;
	_ =	sdelay $0x1  }
0xf8: {  	v4 =	vadd.s32 v1, v4;
	_ =	sdelay $0x3  }
0xf9: {  	s30 =	simm.s32 $0x9200;
	v3 =	vperm.xlane v3, v2  }
0xfa: {  	[tilespmem:s30], [sflag:$0x1] =	stream.indirect_vreg.gather [hbm4b:s1+s3], $0x80, v4, vm0, $0xb8;
	[tilespmem:$0x18200] =	vst v63  }
0xfb: {  	s29 =	simm.s32 $0x9A00;
	v3 =	vadd.s32 v1, v3  }
0xfc: {  	[tilespmem:s29], [sflag:$0x1] =	stream.indirect_vreg.gather [hbm4b:s5+s3], $0x80, v4, vm0, $0xb8;
	[tilespmem:$0x18200] =	vst v63  }
0xfd: {  	s30 =	simm.s32 $0xA200  }
0xfe: {  	[tilespmem:s30], [sflag:$0x1] =	stream.indirect_vreg.gather [hbm4b:s6+s3], $0x80, v4, vm0, $0xb8;
	[tilespmem:$0x18200] =	vst v63  }
0xff: {  	s31 =	simm.s32 $0xAA00  }
0x100: {  	[tilespmem:s31], [sflag:$0x1] =	stream.indirect_vreg.gather [hbm4b:s1+s3], $0x80, v3, vm0, $0xb8;
	[tilespmem:$0x18200] =	vst v63  }
0x101: {  	s12 =	simm.s32 $0xB200  }
0x102: {  	[tilespmem:s12], [sflag:$0x1] =	stream.indirect_vreg.gather [hbm4b:s5+s3], $0x80, v3, vm0, $0xb8;
	[tilespmem:$0x18200] =	vst v63  }
0x103: {  	s11 =	simm.s32 $0xBA00  }
0x104: {  	[tilespmem:s11], [sflag:$0x1] =	stream.indirect_vreg.gather [hbm4b:s6+s3], $0x80, v3, vm0, $0xb8;
	[tilespmem:$0x18200] =	vst v63  }
0x105: {  	_ =	swait.ge [sflag:s2], $0xC000  }
0x106: {  	[sflag:s2] =	ssyncset.done $0x0  }
0x107: {  	s11 =	rddreg [dreg:$0x5];
	[sflag:s2] =	ssyncadd.s32 $0xFFFF4000  }
0x108: {  	[hbm4b:s11+s3] =	stream.linear.scatter [tilespmem:s13], [sflag:$0x2], $0xC000, $0x38;
	[tilespmem:$0x18200] =	vst v63  }
0x109: {  	_ =	swait.ge [sflag:s9], $0xC000  }
0x10a: {  	[sflag:s9] =	ssyncset.done $0x0  }
0x10b: {  	[sflag:s9] =	ssyncadd.s32 $0xFFFF4000  }
0x10c: {  	v3 =	vld [tilespmem:$0xC0];
	_ =	sdelay $0x4  }
0x10d: {  	v44 =	vshrl.u32 v3, $0x3  }
0x10e: {  	v4 =	vmul.u32 $0x30, v44  }
0x10f: {  	v3 =	vand.u32 $0x7, v3  }
0x110: {  	v3 =	vor.u32 v3, v4  }
0x111: {  	v4 =	vperm.xlane v3, v0;
	_ =	sdelay $0x1  }
0x112: {  	v4 =	vadd.s32 v1, v4;
	_ =	sdelay $0x3  }
0x113: {  	v3 =	vperm.xlane v3, v2  }
0x114: {  	[tilespmem:s13], [sflag:$0x1] =	stream.indirect_vreg.gather [hbm4b:s1+s3], $0x80, v4, vm0, $0xb8;
	[tilespmem:$0x18200] =	vst v63  }
0x115: {  	s11 =	simm.s32 $0xCA00;
	v3 =	vadd.s32 v1, v3  }
0x116: {  	[tilespmem:s11], [sflag:$0x1] =	stream.indirect_vreg.gather [hbm4b:s5+s3], $0x80, v4, vm0, $0xb8;
	[tilespmem:$0x18200] =	vst v63  }
0x117: {  	s10 =	simm.s32 $0xD200  }
0x118: {  	[tilespmem:s10], [sflag:$0x1] =	stream.indirect_vreg.gather [hbm4b:s6+s3], $0x80, v4, vm0, $0xb8;
	[tilespmem:$0x18200] =	vst v63  }
0x119: {  	s10 =	simm.s32 $0xDA00  }
0x11a: {  	[tilespmem:s10], [sflag:$0x1] =	stream.indirect_vreg.gather [hbm4b:s1+s3], $0x80, v3, vm0, $0xb8;
	[tilespmem:$0x18200] =	vst v63  }
0x11b: {  	s10 =	simm.s32 $0xE200  }
0x11c: {  	[tilespmem:s10], [sflag:$0x1] =	stream.indirect_vreg.gather [hbm4b:s5+s3], $0x80, v3, vm0, $0xb8;
	[tilespmem:$0x18200] =	vst v63  }
0x11d: {  	s17 =	simm.s32 $0xEA00  }
0x11e: {  	[tilespmem:s17], [sflag:$0x1] =	stream.indirect_vreg.gather [hbm4b:s6+s3], $0x80, v3, vm0, $0xb8;
	[tilespmem:$0x18200] =	vst v63  }
0x11f: {  	v3 =	vld [tilespmem:$0xD0];
	_ =	sdelay $0x4  }
0x120: {  	v45 =	vshrl.u32 v3, $0x3  }
0x121: {  	v4 =	vmul.u32 $0x30, v45  }
0x122: {  	v3 =	vand.u32 $0x7, v3  }
0x123: {  	v3 =	vor.u32 v3, v4  }
0x124: {  	v4 =	vperm.xlane v3, v0;
	_ =	sdelay $0x1  }
0x125: {  	v4 =	vadd.s32 v1, v4;
	_ =	sdelay $0x3  }
0x126: {  	s17 =	simm.s32 $0xF200;
	v3 =	vperm.xlane v3, v2  }
0x127: {  	[tilespmem:s17], [sflag:$0x1] =	stream.indirect_vreg.gather [hbm4b:s1+s3], $0x80, v4, vm0, $0xb8;
	[tilespmem:$0x18200] =	vst v63  }
0x128: {  	v3 =	vadd.s32 v1, v3;
	s17 =	simm.s32 $0xFA00  }
0x129: {  	[tilespmem:s17], [sflag:$0x1] =	stream.indirect_vreg.gather [hbm4b:s5+s3], $0x80, v4, vm0, $0xb8;
	[tilespmem:$0x18200] =	vst v63  }
0x12a: {  	s10 =	simm.s32 $0x10200  }
0x12b: {  	[tilespmem:s10], [sflag:$0x1] =	stream.indirect_vreg.gather [hbm4b:s6+s3], $0x80, v4, vm0, $0xb8;
	[tilespmem:$0x18200] =	vst v63  }
0x12c: {  	s10 =	simm.s32 $0x10A00  }
0x12d: {  	[tilespmem:s10], [sflag:$0x1] =	stream.indirect_vreg.gather [hbm4b:s1+s3], $0x80, v3, vm0, $0xb8;
	[tilespmem:$0x18200] =	vst v63  }
0x12e: {  	s10 =	simm.s32 $0x11200  }
0x12f: {  	[tilespmem:s10], [sflag:$0x1] =	stream.indirect_vreg.gather [hbm4b:s5+s3], $0x80, v3, vm0, $0xb8;
	[tilespmem:$0x18200] =	vst v63  }
0x130: {  	s10 =	simm.s32 $0x11A00  }
0x131: {  	[tilespmem:s10], [sflag:$0x1] =	stream.indirect_vreg.gather [hbm4b:s6+s3], $0x80, v3, vm0, $0xb8;
	[tilespmem:$0x18200] =	vst v63  }
0x132: {  	v3 =	vld [tilespmem:$0xE0];
	_ =	sdelay $0x4  }
0x133: {  	v46 =	vshrl.u32 v3, $0x3  }
0x134: {  	v4 =	vmul.u32 $0x30, v46  }
0x135: {  	v3 =	vand.u32 $0x7, v3  }
0x136: {  	v3 =	vor.u32 v3, v4  }
0x137: {  	v4 =	vperm.xlane v3, v0;
	_ =	sdelay $0x1  }
0x138: {  	v4 =	vadd.s32 v1, v4;
	_ =	sdelay $0x3  }
0x139: {  	s10 =	simm.s32 $0x12200;
	v3 =	vperm.xlane v3, v2  }
0x13a: {  	[tilespmem:s10], [sflag:$0x1] =	stream.indirect_vreg.gather [hbm4b:s1+s3], $0x80, v4, vm0, $0xb8;
	[tilespmem:$0x18200] =	vst v63  }
0x13b: {  	v3 =	vadd.s32 v1, v3;
	s10 =	simm.s32 $0x12A00  }
0x13c: {  	[tilespmem:s10], [sflag:$0x1] =	stream.indirect_vreg.gather [hbm4b:s5+s3], $0x80, v4, vm0, $0xb8;
	[tilespmem:$0x18200] =	vst v63  }
0x13d: {  	s10 =	simm.s32 $0x13200  }
0x13e: {  	[tilespmem:s10], [sflag:$0x1] =	stream.indirect_vreg.gather [hbm4b:s6+s3], $0x80, v4, vm0, $0xb8;
	[tilespmem:$0x18200] =	vst v63  }
0x13f: {  	s10 =	simm.s32 $0x13A00  }
0x140: {  	[tilespmem:s10], [sflag:$0x1] =	stream.indirect_vreg.gather [hbm4b:s1+s3], $0x80, v3, vm0, $0xb8;
	[tilespmem:$0x18200] =	vst v63  }
0x141: {  	s10 =	simm.s32 $0x14200  }
0x142: {  	[tilespmem:s10], [sflag:$0x1] =	stream.indirect_vreg.gather [hbm4b:s5+s3], $0x80, v3, vm0, $0xb8;
	[tilespmem:$0x18200] =	vst v63  }
0x143: {  	s14 =	simm.s32 $0x14A00  }
0x144: {  	[tilespmem:s14], [sflag:$0x1] =	stream.indirect_vreg.gather [hbm4b:s6+s3], $0x80, v3, vm0, $0xb8;
	[tilespmem:$0x18200] =	vst v63  }
0x145: {  	v3 =	vld [tilespmem:$0xF0];
	_ =	sdelay $0x4  }
0x146: {  	v47 =	vshrl.u32 v3, $0x3  }
0x147: {  	v4 =	vmul.u32 $0x30, v47  }
0x148: {  	v3 =	vand.u32 $0x7, v3  }
0x149: {  	v3 =	vor.u32 v3, v4  }
0x14a: {  	v4 =	vperm.xlane v3, v0;
	_ =	sdelay $0x1  }
0x14b: {  	v4 =	vadd.s32 v1, v4;
	_ =	sdelay $0x3  }
0x14c: {  	s15 =	simm.s32 $0x15200;
	v3 =	vperm.xlane v3, v2  }
0x14d: {  	[tilespmem:s15], [sflag:$0x1] =	stream.indirect_vreg.gather [hbm4b:s1+s3], $0x80, v4, vm0, $0xb8;
	[tilespmem:$0x18200] =	vst v63  }
0x14e: {  	s14 =	simm.s32 $0x15A00;
	v3 =	vadd.s32 v1, v3  }
0x14f: {  	[tilespmem:s14], [sflag:$0x1] =	stream.indirect_vreg.gather [hbm4b:s5+s3], $0x80, v4, vm0, $0xb8;
	[tilespmem:$0x18200] =	vst v63  }
0x150: {  	s15 =	simm.s32 $0x16200  }
0x151: {  	[tilespmem:s15], [sflag:$0x1] =	stream.indirect_vreg.gather [hbm4b:s6+s3], $0x80, v4, vm0, $0xb8;
	[tilespmem:$0x18200] =	vst v63  }
0x152: {  	s14 =	simm.s32 $0x16A00  }
0x153: {  	[tilespmem:s14], [sflag:$0x1] =	stream.indirect_vreg.gather [hbm4b:s1+s3], $0x80, v3, vm0, $0xb8;
	[tilespmem:$0x18200] =	vst v63  }
0x154: {  	s15 =	simm.s32 $0x17200  }
0x155: {  	[tilespmem:s15], [sflag:$0x1] =	stream.indirect_vreg.gather [hbm4b:s5+s3], $0x80, v3, vm0, $0xb8;
	[tilespmem:$0x18200] =	vst v63  }
0x156: {  	s16 =	simm.s32 $0x17A00  }
0x157: {  	[tilespmem:s16], [sflag:$0x1] =	stream.indirect_vreg.gather [hbm4b:s6+s3], $0x80, v3, vm0, $0xb8;
	[tilespmem:$0x18200] =	vst v63  }
0x158: {  	_ =	swait.ge [sflag:s2], $0xC000  }
0x159: {  	[sflag:s2] =	ssyncset.done $0x0  }
0x15a: {  	s16 =	rddreg [dreg:$0x6];
	[sflag:s2] =	ssyncadd.s32 $0xFFFF4000  }
0x15b: {  	[hbm4b:s16+s3] =	stream.linear.scatter [tilespmem:s8], [sflag:$0x2], $0xC000, $0x38;
	[tilespmem:$0x18200] =	vst v63  }
0x15c: {  	_ =	swait.ge [sflag:s9], $0xC000  }
0x15d: {  	[sflag:s9] =	ssyncset.done $0x0  }
0x15e: {  	[sflag:s9] =	ssyncadd.s32 $0xFFFF4000  }
0x15f: {  	v3 =	vld [tilespmem:$0x100];
	_ =	sdelay $0x4  }
0x160: {  	v48 =	vshrl.u32 v3, $0x3  }
0x161: {  	v4 =	vmul.u32 $0x30, v48  }
0x162: {  	v3 =	vand.u32 $0x7, v3  }
0x163: {  	v3 =	vor.u32 v3, v4  }
0x164: {  	v4 =	vperm.xlane v3, v0;
	_ =	sdelay $0x1  }
0x165: {  	v4 =	vadd.s32 v1, v4;
	_ =	sdelay $0x3  }
0x166: {  	v3 =	vperm.xlane v3, v2  }
0x167: {  	[tilespmem:s8], [sflag:$0x1] =	stream.indirect_vreg.gather [hbm4b:s1+s3], $0x80, v4, vm0, $0xb8;
	[tilespmem:$0x18200] =	vst v63  }
0x168: {  	v3 =	vadd.s32 v1, v3  }
0x169: {  	[tilespmem:s0], [sflag:$0x1] =	stream.indirect_vreg.gather [hbm4b:s5+s3], $0x80, v4, vm0, $0xb8;
	[tilespmem:$0x18200] =	vst v63  }
0x16a: {  	_ = 	snop  }
0x16b: {  	[tilespmem:s4], [sflag:$0x1] =	stream.indirect_vreg.gather [hbm4b:s6+s3], $0x80, v4, vm0, $0xb8;
	[tilespmem:$0x18200] =	vst v63  }
0x16c: {  	_ = 	snop  }
0x16d: {  	[tilespmem:s18], [sflag:$0x1] =	stream.indirect_vreg.gather [hbm4b:s1+s3], $0x80, v3, vm0, $0xb8;
	[tilespmem:$0x18200] =	vst v63  }
0x16e: {  	_ = 	snop  }
0x16f: {  	[tilespmem:s19], [sflag:$0x1] =	stream.indirect_vreg.gather [hbm4b:s5+s3], $0x80, v3, vm0, $0xb8;
	[tilespmem:$0x18200] =	vst v63  }
0x170: {  	s19 =	simm.s32 $0x2A00  }
0x171: {  	[tilespmem:s19], [sflag:$0x1] =	stream.indirect_vreg.gather [hbm4b:s6+s3], $0x80, v3, vm0, $0xb8;
	[tilespmem:$0x18200] =	vst v63  }
0x172: {  	v3 =	vld [tilespmem:$0x110];
	_ =	sdelay $0x4  }
0x173: {  	v49 =	vshrl.u32 v3, $0x3  }
0x174: {  	v4 =	vmul.u32 $0x30, v49  }
0x175: {  	v3 =	vand.u32 $0x7, v3  }
0x176: {  	v3 =	vor.u32 v3, v4  }
0x177: {  	v4 =	vperm.xlane v3, v0;
	_ =	sdelay $0x1  }
0x178: {  	v4 =	vadd.s32 v1, v4;
	_ =	sdelay $0x3  }
0x179: {  	s14 =	simm.s32 $0x3200;
	v3 =	vperm.xlane v3, v2  }
0x17a: {  	[tilespmem:s14], [sflag:$0x1] =	stream.indirect_vreg.gather [hbm4b:s1+s3], $0x80, v4, vm0, $0xb8;
	[tilespmem:$0x18200] =	vst v63  }
0x17b: {  	v3 =	vadd.s32 v1, v3  }
0x17c: {  	[tilespmem:s20], [sflag:$0x1] =	stream.indirect_vreg.gather [hbm4b:s5+s3], $0x80, v4, vm0, $0xb8;
	[tilespmem:$0x18200] =	vst v63  }
0x17d: {  	_ = 	snop  }
0x17e: {  	[tilespmem:s21], [sflag:$0x1] =	stream.indirect_vreg.gather [hbm4b:s6+s3], $0x80, v4, vm0, $0xb8;
	[tilespmem:$0x18200] =	vst v63  }
0x17f: {  	_ = 	snop  }
0x180: {  	[tilespmem:s22], [sflag:$0x1] =	stream.indirect_vreg.gather [hbm4b:s1+s3], $0x80, v3, vm0, $0xb8;
	[tilespmem:$0x18200] =	vst v63  }
0x181: {  	_ = 	snop  }
0x182: {  	[tilespmem:s23], [sflag:$0x1] =	stream.indirect_vreg.gather [hbm4b:s5+s3], $0x80, v3, vm0, $0xb8;
	[tilespmem:$0x18200] =	vst v63  }
0x183: {  	s15 =	simm.s32 $0x5A00  }
0x184: {  	[tilespmem:s15], [sflag:$0x1] =	stream.indirect_vreg.gather [hbm4b:s6+s3], $0x80, v3, vm0, $0xb8;
	[tilespmem:$0x18200] =	vst v63  }
0x185: {  	v3 =	vld [tilespmem:$0x120];
	_ =	sdelay $0x4  }
0x186: {  	v50 =	vshrl.u32 v3, $0x3  }
0x187: {  	v4 =	vmul.u32 $0x30, v50  }
0x188: {  	v3 =	vand.u32 $0x7, v3  }
0x189: {  	v3 =	vor.u32 v3, v4  }
0x18a: {  	v4 =	vperm.xlane v3, v0;
	_ =	sdelay $0x1  }
0x18b: {  	v4 =	vadd.s32 v1, v4;
	_ =	sdelay $0x3  }
0x18c: {  	s23 =	simm.s32 $0x6200;
	v3 =	vperm.xlane v3, v2  }
0x18d: {  	[tilespmem:s23], [sflag:$0x1] =	stream.indirect_vreg.gather [hbm4b:s1+s3], $0x80, v4, vm0, $0xb8;
	[tilespmem:$0x18200] =	vst v63  }
0x18e: {  	v3 =	vadd.s32 v1, v3  }
0x18f: {  	[tilespmem:s24], [sflag:$0x1] =	stream.indirect_vreg.gather [hbm4b:s5+s3], $0x80, v4, vm0, $0xb8;
	[tilespmem:$0x18200] =	vst v63  }
0x190: {  	_ = 	snop  }
0x191: {  	[tilespmem:s25], [sflag:$0x1] =	stream.indirect_vreg.gather [hbm4b:s6+s3], $0x80, v4, vm0, $0xb8;
	[tilespmem:$0x18200] =	vst v63  }
0x192: {  	_ = 	snop  }
0x193: {  	[tilespmem:s26], [sflag:$0x1] =	stream.indirect_vreg.gather [hbm4b:s1+s3], $0x80, v3, vm0, $0xb8;
	[tilespmem:$0x18200] =	vst v63  }
0x194: {  	_ = 	snop  }
0x195: {  	[tilespmem:s28], [sflag:$0x1] =	stream.indirect_vreg.gather [hbm4b:s5+s3], $0x80, v3, vm0, $0xb8;
	[tilespmem:$0x18200] =	vst v63  }
0x196: {  	s28 =	simm.s32 $0x8A00  }
0x197: {  	[tilespmem:s28], [sflag:$0x1] =	stream.indirect_vreg.gather [hbm4b:s6+s3], $0x80, v3, vm0, $0xb8;
	[tilespmem:$0x18200] =	vst v63  }
0x198: {  	v3 =	vld [tilespmem:$0x130];
	_ =	sdelay $0x4  }
0x199: {  	v51 =	vshrl.u32 v3, $0x3  }
0x19a: {  	v4 =	vmul.u32 $0x30, v51  }
0x19b: {  	v3 =	vand.u32 $0x7, v3  }
0x19c: {  	v3 =	vor.u32 v3, v4  }
0x19d: {  	v4 =	vperm.xlane v3, v0;
	_ =	sdelay $0x1  }
0x19e: {  	v4 =	vadd.s32 v1, v4;
	_ =	sdelay $0x3  }
0x19f: {  	s14 =	simm.s32 $0x9200;
	v3 =	vperm.xlane v3, v2  }
0x1a0: {  	[tilespmem:s14], [sflag:$0x1] =	stream.indirect_vreg.gather [hbm4b:s1+s3], $0x80, v4, vm0, $0xb8;
	[tilespmem:$0x18200] =	vst v63  }
0x1a1: {  	v3 =	vadd.s32 v1, v3  }
0x1a2: {  	[tilespmem:s29], [sflag:$0x1] =	stream.indirect_vreg.gather [hbm4b:s5+s3], $0x80, v4, vm0, $0xb8;
	[tilespmem:$0x18200] =	vst v63  }
0x1a3: {  	_ = 	snop  }
0x1a4: {  	[tilespmem:s30], [sflag:$0x1] =	stream.indirect_vreg.gather [hbm4b:s6+s3], $0x80, v4, vm0, $0xb8;
	[tilespmem:$0x18200] =	vst v63  }
0x1a5: {  	_ = 	snop  }
0x1a6: {  	[tilespmem:s31], [sflag:$0x1] =	stream.indirect_vreg.gather [hbm4b:s1+s3], $0x80, v3, vm0, $0xb8;
	[tilespmem:$0x18200] =	vst v63  }
0x1a7: {  	_ = 	snop  }
0x1a8: {  	[tilespmem:s12], [sflag:$0x1] =	stream.indirect_vreg.gather [hbm4b:s5+s3], $0x80, v3, vm0, $0xb8;
	[tilespmem:$0x18200] =	vst v63  }
0x1a9: {  	s15 =	simm.s32 $0xBA00  }
0x1aa: {  	[tilespmem:s15], [sflag:$0x1] =	stream.indirect_vreg.gather [hbm4b:s6+s3], $0x80, v3, vm0, $0xb8;
	[tilespmem:$0x18200] =	vst v63  }
0x1ab: {  	_ =	swait.ge [sflag:s2], $0xC000  }
0x1ac: {  	[sflag:s2] =	ssyncset.done $0x0  }
0x1ad: {  	s31 =	rddreg [dreg:$0x7];
	[sflag:s2] =	ssyncadd.s32 $0xFFFF4000  }
0x1ae: {  	[hbm4b:s31+s3] =	stream.linear.scatter [tilespmem:s13], [sflag:$0x2], $0xC000, $0x38;
	[tilespmem:$0x18200] =	vst v63  }
0x1af: {  	_ =	swait.ge [sflag:s9], $0xC000  }
0x1b0: {  	[sflag:s9] =	ssyncset.done $0x0  }
0x1b1: {  	[sflag:s9] =	ssyncadd.s32 $0xFFFF4000  }
0x1b2: {  	v3 =	vld [tilespmem:$0x140];
	_ =	sdelay $0x4  }
0x1b3: {  	v52 =	vshrl.u32 v3, $0x3  }
0x1b4: {  	v4 =	vmul.u32 $0x30, v52  }
0x1b5: {  	v3 =	vand.u32 $0x7, v3  }
0x1b6: {  	v3 =	vor.u32 v3, v4  }
0x1b7: {  	v4 =	vperm.xlane v3, v0;
	_ =	sdelay $0x1  }
0x1b8: {  	v4 =	vadd.s32 v1, v4;
	_ =	sdelay $0x3  }
0x1b9: {  	v3 =	vperm.xlane v3, v2  }
0x1ba: {  	[tilespmem:s13], [sflag:$0x1] =	stream.indirect_vreg.gather [hbm4b:s1+s3], $0x80, v4, vm0, $0xb8;
	[tilespmem:$0x18200] =	vst v63  }
0x1bb: {  	s11 =	simm.s32 $0xCA00;
	v3 =	vadd.s32 v1, v3  }
0x1bc: {  	[tilespmem:s11], [sflag:$0x1] =	stream.indirect_vreg.gather [hbm4b:s5+s3], $0x80, v4, vm0, $0xb8;
	[tilespmem:$0x18200] =	vst v63  }
0x1bd: {  	s11 =	simm.s32 $0xD200  }
0x1be: {  	[tilespmem:s11], [sflag:$0x1] =	stream.indirect_vreg.gather [hbm4b:s6+s3], $0x80, v4, vm0, $0xb8;
	[tilespmem:$0x18200] =	vst v63  }
0x1bf: {  	s14 =	simm.s32 $0xDA00  }
0x1c0: {  	[tilespmem:s14], [sflag:$0x1] =	stream.indirect_vreg.gather [hbm4b:s1+s3], $0x80, v3, vm0, $0xb8;
	[tilespmem:$0x18200] =	vst v63  }
0x1c1: {  	s15 =	simm.s32 $0xE200  }
0x1c2: {  	[tilespmem:s15], [sflag:$0x1] =	stream.indirect_vreg.gather [hbm4b:s5+s3], $0x80, v3, vm0, $0xb8;
	[tilespmem:$0x18200] =	vst v63  }
0x1c3: {  	s10 =	simm.s32 $0xEA00  }
0x1c4: {  	[tilespmem:s10], [sflag:$0x1] =	stream.indirect_vreg.gather [hbm4b:s6+s3], $0x80, v3, vm0, $0xb8;
	[tilespmem:$0x18200] =	vst v63  }
0x1c5: {  	v3 =	vld [tilespmem:$0x150];
	_ =	sdelay $0x4  }
0x1c6: {  	v53 =	vshrl.u32 v3, $0x3  }
0x1c7: {  	v4 =	vmul.u32 $0x30, v53  }
0x1c8: {  	v3 =	vand.u32 $0x7, v3  }
0x1c9: {  	v3 =	vor.u32 v3, v4  }
0x1ca: {  	v4 =	vperm.xlane v3, v0;
	_ =	sdelay $0x1  }
0x1cb: {  	v4 =	vadd.s32 v1, v4;
	_ =	sdelay $0x3  }
0x1cc: {  	s10 =	simm.s32 $0xF200;
	v3 =	vperm.xlane v3, v2  }
0x1cd: {  	[tilespmem:s10], [sflag:$0x1] =	stream.indirect_vreg.gather [hbm4b:s1+s3], $0x80, v4, vm0, $0xb8;
	[tilespmem:$0x18200] =	vst v63  }
0x1ce: {  	s17 =	simm.s32 $0xFA00;
	v3 =	vadd.s32 v1, v3  }
0x1cf: {  	[tilespmem:s17], [sflag:$0x1] =	stream.indirect_vreg.gather [hbm4b:s5+s3], $0x80, v4, vm0, $0xb8;
	[tilespmem:$0x18200] =	vst v63  }
0x1d0: {  	s10 =	simm.s32 $0x10200  }
0x1d1: {  	[tilespmem:s10], [sflag:$0x1] =	stream.indirect_vreg.gather [hbm4b:s6+s3], $0x80, v4, vm0, $0xb8;
	[tilespmem:$0x18200] =	vst v63  }
0x1d2: {  	s10 =	simm.s32 $0x10A00  }
0x1d3: {  	[tilespmem:s10], [sflag:$0x1] =	stream.indirect_vreg.gather [hbm4b:s1+s3], $0x80, v3, vm0, $0xb8;
	[tilespmem:$0x18200] =	vst v63  }
0x1d4: {  	s10 =	simm.s32 $0x11200  }
0x1d5: {  	[tilespmem:s10], [sflag:$0x1] =	stream.indirect_vreg.gather [hbm4b:s5+s3], $0x80, v3, vm0, $0xb8;
	[tilespmem:$0x18200] =	vst v63  }
0x1d6: {  	s10 =	simm.s32 $0x11A00  }
0x1d7: {  	[tilespmem:s10], [sflag:$0x1] =	stream.indirect_vreg.gather [hbm4b:s6+s3], $0x80, v3, vm0, $0xb8;
	[tilespmem:$0x18200] =	vst v63  }
0x1d8: {  	v3 =	vld [tilespmem:$0x160];
	_ =	sdelay $0x4  }
0x1d9: {  	v54 =	vshrl.u32 v3, $0x3  }
0x1da: {  	v4 =	vmul.u32 $0x30, v54  }
0x1db: {  	v3 =	vand.u32 $0x7, v3  }
0x1dc: {  	v3 =	vor.u32 v3, v4  }
0x1dd: {  	v4 =	vperm.xlane v3, v0;
	_ =	sdelay $0x1  }
0x1de: {  	v4 =	vadd.s32 v1, v4;
	_ =	sdelay $0x3  }
0x1df: {  	s10 =	simm.s32 $0x12200;
	v3 =	vperm.xlane v3, v2  }
0x1e0: {  	[tilespmem:s10], [sflag:$0x1] =	stream.indirect_vreg.gather [hbm4b:s1+s3], $0x80, v4, vm0, $0xb8;
	[tilespmem:$0x18200] =	vst v63  }
0x1e1: {  	v3 =	vadd.s32 v1, v3;
	s10 =	simm.s32 $0x12A00  }
0x1e2: {  	[tilespmem:s10], [sflag:$0x1] =	stream.indirect_vreg.gather [hbm4b:s5+s3], $0x80, v4, vm0, $0xb8;
	[tilespmem:$0x18200] =	vst v63  }
0x1e3: {  	s10 =	simm.s32 $0x13200  }
0x1e4: {  	[tilespmem:s10], [sflag:$0x1] =	stream.indirect_vreg.gather [hbm4b:s6+s3], $0x80, v4, vm0, $0xb8;
	[tilespmem:$0x18200] =	vst v63  }
0x1e5: {  	s10 =	simm.s32 $0x13A00  }
0x1e6: {  	[tilespmem:s10], [sflag:$0x1] =	stream.indirect_vreg.gather [hbm4b:s1+s3], $0x80, v3, vm0, $0xb8;
	[tilespmem:$0x18200] =	vst v63  }
0x1e7: {  	s10 =	simm.s32 $0x14200  }
0x1e8: {  	[tilespmem:s10], [sflag:$0x1] =	stream.indirect_vreg.gather [hbm4b:s5+s3], $0x80, v3, vm0, $0xb8;
	[tilespmem:$0x18200] =	vst v63  }
0x1e9: {  	s10 =	simm.s32 $0x14A00  }
0x1ea: {  	[tilespmem:s10], [sflag:$0x1] =	stream.indirect_vreg.gather [hbm4b:s6+s3], $0x80, v3, vm0, $0xb8;
	[tilespmem:$0x18200] =	vst v63  }
0x1eb: {  	v3 =	vld [tilespmem:$0x170];
	_ =	sdelay $0x4  }
0x1ec: {  	v55 =	vshrl.u32 v3, $0x3  }
0x1ed: {  	v4 =	vmul.u32 $0x30, v55  }
0x1ee: {  	v3 =	vand.u32 $0x7, v3  }
0x1ef: {  	v3 =	vor.u32 v3, v4  }
0x1f0: {  	v4 =	vperm.xlane v3, v0;
	_ =	sdelay $0x1  }
0x1f1: {  	v4 =	vadd.s32 v1, v4;
	_ =	sdelay $0x3  }
0x1f2: {  	s10 =	simm.s32 $0x15200;
	v3 =	vperm.xlane v3, v2  }
0x1f3: {  	[tilespmem:s10], [sflag:$0x1] =	stream.indirect_vreg.gather [hbm4b:s1+s3], $0x80, v4, vm0, $0xb8;
	[tilespmem:$0x18200] =	vst v63  }
0x1f4: {  	v3 =	vadd.s32 v1, v3;
	s10 =	simm.s32 $0x15A00  }
0x1f5: {  	[tilespmem:s10], [sflag:$0x1] =	stream.indirect_vreg.gather [hbm4b:s5+s3], $0x80, v4, vm0, $0xb8;
	[tilespmem:$0x18200] =	vst v63  }
0x1f6: {  	s10 =	simm.s32 $0x16200  }
0x1f7: {  	[tilespmem:s10], [sflag:$0x1] =	stream.indirect_vreg.gather [hbm4b:s6+s3], $0x80, v4, vm0, $0xb8;
	[tilespmem:$0x18200] =	vst v63  }
0x1f8: {  	s10 =	simm.s32 $0x16A00  }
0x1f9: {  	[tilespmem:s10], [sflag:$0x1] =	stream.indirect_vreg.gather [hbm4b:s1+s3], $0x80, v3, vm0, $0xb8;
	[tilespmem:$0x18200] =	vst v63  }
0x1fa: {  	s10 =	simm.s32 $0x17200  }
0x1fb: {  	[tilespmem:s10], [sflag:$0x1] =	stream.indirect_vreg.gather [hbm4b:s5+s3], $0x80, v3, vm0, $0xb8;
	[tilespmem:$0x18200] =	vst v63  }
0x1fc: {  	s10 =	simm.s32 $0x17A00  }
0x1fd: {  	[tilespmem:s10], [sflag:$0x1] =	stream.indirect_vreg.gather [hbm4b:s6+s3], $0x80, v3, vm0, $0xb8;
	[tilespmem:$0x18200] =	vst v63  }
0x1fe: {  	_ =	swait.ge [sflag:s2], $0xC000  }
0x1ff: {  	[sflag:s2] =	ssyncset.done $0x0  }
0x200: {  	s10 =	rddreg [dreg:$0x8];
	[sflag:s2] =	ssyncadd.s32 $0xFFFF4000  }
0x201: {  	[hbm4b:s10+s3] =	stream.linear.scatter [tilespmem:s8], [sflag:$0x2], $0xC000, $0x38;
	[tilespmem:$0x18200] =	vst v63  }
0x202: {  	_ =	swait.ge [sflag:s9], $0xC000  }
0x203: {  	[sflag:s9] =	ssyncset.done $0x0  }
0x204: {  	[sflag:s9] =	ssyncadd.s32 $0xFFFF4000  }
0x205: {  	v3 =	vld [tilespmem:$0x180];
	_ =	sdelay $0x4  }
0x206: {  	v56 =	vshrl.u32 v3, $0x3  }
0x207: {  	v4 =	vmul.u32 $0x30, v56  }
0x208: {  	v3 =	vand.u32 $0x7, v3  }
0x209: {  	v3 =	vor.u32 v3, v4  }
0x20a: {  	v4 =	vperm.xlane v3, v0;
	_ =	sdelay $0x1  }
0x20b: {  	v4 =	vadd.s32 v1, v4;
	_ =	sdelay $0x3  }
0x20c: {  	v3 =	vperm.xlane v3, v2  }
0x20d: {  	[tilespmem:s8], [sflag:$0x1] =	stream.indirect_vreg.gather [hbm4b:s1+s3], $0x80, v4, vm0, $0xb8;
	[tilespmem:$0x18200] =	vst v63  }
0x20e: {  	s0 =	simm.s32 $0xA00;
	v3 =	vadd.s32 v1, v3  }
0x20f: {  	[tilespmem:s0], [sflag:$0x1] =	stream.indirect_vreg.gather [hbm4b:s5+s3], $0x80, v4, vm0, $0xb8;
	[tilespmem:$0x18200] =	vst v63  }
0x210: {  	s4 =	simm.s32 $0x1200  }
0x211: {  	[tilespmem:s4], [sflag:$0x1] =	stream.indirect_vreg.gather [hbm4b:s6+s3], $0x80, v4, vm0, $0xb8;
	[tilespmem:$0x18200] =	vst v63  }
0x212: {  	s16 =	simm.s32 $0x1A00  }
0x213: {  	[tilespmem:s16], [sflag:$0x1] =	stream.indirect_vreg.gather [hbm4b:s1+s3], $0x80, v3, vm0, $0xb8;
	[tilespmem:$0x18200] =	vst v63  }
0x214: {  	s18 =	simm.s32 $0x2200  }
0x215: {  	[tilespmem:s18], [sflag:$0x1] =	stream.indirect_vreg.gather [hbm4b:s5+s3], $0x80, v3, vm0, $0xb8;
	[tilespmem:$0x18200] =	vst v63  }
0x216: {  	s16 =	simm.s32 $0x2A00  }
0x217: {  	[tilespmem:s16], [sflag:$0x1] =	stream.indirect_vreg.gather [hbm4b:s6+s3], $0x80, v3, vm0, $0xb8;
	[tilespmem:$0x18200] =	vst v63  }
0x218: {  	v3 =	vld [tilespmem:$0x190];
	_ =	sdelay $0x4  }
0x219: {  	v57 =	vshrl.u32 v3, $0x3  }
0x21a: {  	v4 =	vmul.u32 $0x30, v57  }
0x21b: {  	v3 =	vand.u32 $0x7, v3  }
0x21c: {  	v3 =	vor.u32 v3, v4  }
0x21d: {  	v4 =	vperm.xlane v3, v0;
	_ =	sdelay $0x1  }
0x21e: {  	v4 =	vadd.s32 v1, v4;
	_ =	sdelay $0x3  }
0x21f: {  	s18 =	simm.s32 $0x3200;
	v3 =	vperm.xlane v3, v2  }
0x220: {  	[tilespmem:s18], [sflag:$0x1] =	stream.indirect_vreg.gather [hbm4b:s1+s3], $0x80, v4, vm0, $0xb8;
	[tilespmem:$0x18200] =	vst v63  }
0x221: {  	s19 =	simm.s32 $0x3A00;
	v3 =	vadd.s32 v1, v3  }
0x222: {  	[tilespmem:s19], [sflag:$0x1] =	stream.indirect_vreg.gather [hbm4b:s5+s3], $0x80, v4, vm0, $0xb8;
	[tilespmem:$0x18200] =	vst v63  }
0x223: {  	s20 =	simm.s32 $0x4200  }
0x224: {  	[tilespmem:s20], [sflag:$0x1] =	stream.indirect_vreg.gather [hbm4b:s6+s3], $0x80, v4, vm0, $0xb8;
	[tilespmem:$0x18200] =	vst v63  }
0x225: {  	s21 =	simm.s32 $0x4A00  }
0x226: {  	[tilespmem:s21], [sflag:$0x1] =	stream.indirect_vreg.gather [hbm4b:s1+s3], $0x80, v3, vm0, $0xb8;
	[tilespmem:$0x18200] =	vst v63  }
0x227: {  	s22 =	simm.s32 $0x5200  }
0x228: {  	[tilespmem:s22], [sflag:$0x1] =	stream.indirect_vreg.gather [hbm4b:s5+s3], $0x80, v3, vm0, $0xb8;
	[tilespmem:$0x18200] =	vst v63  }
0x229: {  	s21 =	simm.s32 $0x5A00  }
0x22a: {  	[tilespmem:s21], [sflag:$0x1] =	stream.indirect_vreg.gather [hbm4b:s6+s3], $0x80, v3, vm0, $0xb8;
	[tilespmem:$0x18200] =	vst v63  }
0x22b: {  	v3 =	vld [tilespmem:$0x1A0];
	_ =	sdelay $0x4  }
0x22c: {  	v58 =	vshrl.u32 v3, $0x3  }
0x22d: {  	v4 =	vmul.u32 $0x30, v58  }
0x22e: {  	v3 =	vand.u32 $0x7, v3  }
0x22f: {  	v3 =	vor.u32 v3, v4  }
0x230: {  	v4 =	vperm.xlane v3, v0;
	_ =	sdelay $0x1  }
0x231: {  	v4 =	vadd.s32 v1, v4;
	_ =	sdelay $0x3  }
0x232: {  	s22 =	simm.s32 $0x6200;
	v3 =	vperm.xlane v3, v2  }
0x233: {  	[tilespmem:s22], [sflag:$0x1] =	stream.indirect_vreg.gather [hbm4b:s1+s3], $0x80, v4, vm0, $0xb8;
	[tilespmem:$0x18200] =	vst v63  }
0x234: {  	s23 =	simm.s32 $0x6A00;
	v3 =	vadd.s32 v1, v3  }
0x235: {  	[tilespmem:s23], [sflag:$0x1] =	stream.indirect_vreg.gather [hbm4b:s5+s3], $0x80, v4, vm0, $0xb8;
	[tilespmem:$0x18200] =	vst v63  }
0x236: {  	s24 =	simm.s32 $0x7200  }
0x237: {  	[tilespmem:s24], [sflag:$0x1] =	stream.indirect_vreg.gather [hbm4b:s6+s3], $0x80, v4, vm0, $0xb8;
	[tilespmem:$0x18200] =	vst v63  }
0x238: {  	s25 =	simm.s32 $0x7A00  }
0x239: {  	[tilespmem:s25], [sflag:$0x1] =	stream.indirect_vreg.gather [hbm4b:s1+s3], $0x80, v3, vm0, $0xb8;
	[tilespmem:$0x18200] =	vst v63  }
0x23a: {  	s26 =	simm.s32 $0x8200  }
0x23b: {  	[tilespmem:s26], [sflag:$0x1] =	stream.indirect_vreg.gather [hbm4b:s5+s3], $0x80, v3, vm0, $0xb8;
	[tilespmem:$0x18200] =	vst v63  }
0x23c: {  	s25 =	simm.s32 $0x8A00  }
0x23d: {  	[tilespmem:s25], [sflag:$0x1] =	stream.indirect_vreg.gather [hbm4b:s6+s3], $0x80, v3, vm0, $0xb8;
	[tilespmem:$0x18200] =	vst v63  }
0x23e: {  	v3 =	vld [tilespmem:$0x1B0];
	_ =	sdelay $0x4  }
0x23f: {  	v59 =	vshrl.u32 v3, $0x3  }
0x240: {  	v4 =	vmul.u32 $0x30, v59  }
0x241: {  	v3 =	vand.u32 $0x7, v3  }
0x242: {  	v3 =	vor.u32 v3, v4  }
0x243: {  	v4 =	vperm.xlane v3, v0;
	_ =	sdelay $0x1  }
0x244: {  	v4 =	vadd.s32 v1, v4;
	_ =	sdelay $0x3  }
0x245: {  	s26 =	simm.s32 $0x9200;
	v3 =	vperm.xlane v3, v2  }
0x246: {  	[tilespmem:s26], [sflag:$0x1] =	stream.indirect_vreg.gather [hbm4b:s1+s3], $0x80, v4, vm0, $0xb8;
	[tilespmem:$0x18200] =	vst v63  }
0x247: {  	s28 =	simm.s32 $0x9A00;
	v3 =	vadd.s32 v1, v3  }
0x248: {  	[tilespmem:s28], [sflag:$0x1] =	stream.indirect_vreg.gather [hbm4b:s5+s3], $0x80, v4, vm0, $0xb8;
	[tilespmem:$0x18200] =	vst v63  }
0x249: {  	s29 =	simm.s32 $0xA200  }
0x24a: {  	[tilespmem:s29], [sflag:$0x1] =	stream.indirect_vreg.gather [hbm4b:s6+s3], $0x80, v4, vm0, $0xb8;
	[tilespmem:$0x18200] =	vst v63  }
0x24b: {  	s30 =	simm.s32 $0xAA00  }
0x24c: {  	[tilespmem:s30], [sflag:$0x1] =	stream.indirect_vreg.gather [hbm4b:s1+s3], $0x80, v3, vm0, $0xb8;
	[tilespmem:$0x18200] =	vst v63  }
0x24d: {  	s12 =	simm.s32 $0xB200  }
0x24e: {  	[tilespmem:s12], [sflag:$0x1] =	stream.indirect_vreg.gather [hbm4b:s5+s3], $0x80, v3, vm0, $0xb8;
	[tilespmem:$0x18200] =	vst v63  }
0x24f: {  	s30 =	simm.s32 $0xBA00  }
0x250: {  	[tilespmem:s30], [sflag:$0x1] =	stream.indirect_vreg.gather [hbm4b:s6+s3], $0x80, v3, vm0, $0xb8;
	[tilespmem:$0x18200] =	vst v63  }
0x251: {  	_ =	swait.ge [sflag:s2], $0xC000  }
0x252: {  	[sflag:s2] =	ssyncset.done $0x0  }
0x253: {  	s4 =	rddreg [dreg:$0x9];
	[sflag:s2] =	ssyncadd.s32 $0xFFFF4000  }
0x254: {  	[hbm4b:s4+s3] =	stream.linear.scatter [tilespmem:s13], [sflag:$0x2], $0xC000, $0x38;
	[tilespmem:$0x18200] =	vst v63  }
0x255: {  	_ =	swait.ge [sflag:s9], $0xC000  }
0x256: {  	[sflag:s9] =	ssyncset.done $0x0  }
0x257: {  	[sflag:s9] =	ssyncadd.s32 $0xFFFF4000  }
0x258: {  	v3 =	vld [tilespmem:$0x1C0];
	_ =	sdelay $0x4  }
0x259: {  	v60 =	vshrl.u32 v3, $0x3  }
0x25a: {  	v4 =	vmul.u32 $0x30, v60  }
0x25b: {  	v3 =	vand.u32 $0x7, v3  }
0x25c: {  	v3 =	vor.u32 v3, v4  }
0x25d: {  	v4 =	vperm.xlane v3, v0;
	_ =	sdelay $0x1  }
0x25e: {  	v4 =	vadd.s32 v1, v4;
	_ =	sdelay $0x3  }
0x25f: {  	v3 =	vperm.xlane v3, v2  }
0x260: {  	[tilespmem:s13], [sflag:$0x1] =	stream.indirect_vreg.gather [hbm4b:s1+s3], $0x80, v4, vm0, $0xb8;
	[tilespmem:$0x18200] =	vst v63  }
0x261: {  	s31 =	simm.s32 $0xCA00;
	v3 =	vadd.s32 v1, v3  }
0x262: {  	[tilespmem:s31], [sflag:$0x1] =	stream.indirect_vreg.gather [hbm4b:s5+s3], $0x80, v4, vm0, $0xb8;
	[tilespmem:$0x18200] =	vst v63  }
0x263: {  	s11 =	simm.s32 $0xD200  }
0x264: {  	[tilespmem:s11], [sflag:$0x1] =	stream.indirect_vreg.gather [hbm4b:s6+s3], $0x80, v4, vm0, $0xb8;
	[tilespmem:$0x18200] =	vst v63  }
0x265: {  	s14 =	simm.s32 $0xDA00  }
0x266: {  	[tilespmem:s14], [sflag:$0x1] =	stream.indirect_vreg.gather [hbm4b:s1+s3], $0x80, v3, vm0, $0xb8;
	[tilespmem:$0x18200] =	vst v63  }
0x267: {  	s15 =	simm.s32 $0xE200  }
0x268: {  	[tilespmem:s15], [sflag:$0x1] =	stream.indirect_vreg.gather [hbm4b:s5+s3], $0x80, v3, vm0, $0xb8;
	[tilespmem:$0x18200] =	vst v63  }
0x269: {  	s10 =	simm.s32 $0xEA00  }
0x26a: {  	[tilespmem:s10], [sflag:$0x1] =	stream.indirect_vreg.gather [hbm4b:s6+s3], $0x80, v3, vm0, $0xb8;
	[tilespmem:$0x18200] =	vst v63  }
0x26b: {  	v3 =	vld [tilespmem:$0x1D0];
	_ =	sdelay $0x4  }
0x26c: {  	v61 =	vshrl.u32 v3, $0x3  }
0x26d: {  	v4 =	vmul.u32 $0x30, v61  }
0x26e: {  	v3 =	vand.u32 $0x7, v3  }
0x26f: {  	v3 =	vor.u32 v3, v4  }
0x270: {  	v4 =	vperm.xlane v3, v0;
	_ =	sdelay $0x1  }
0x271: {  	v4 =	vadd.s32 v1, v4;
	_ =	sdelay $0x3  }
0x272: {  	s11 =	simm.s32 $0xF200;
	v3 =	vperm.xlane v3, v2  }
0x273: {  	[tilespmem:s11], [sflag:$0x1] =	stream.indirect_vreg.gather [hbm4b:s1+s3], $0x80, v4, vm0, $0xb8;
	[tilespmem:$0x18200] =	vst v63  }
0x274: {  	s17 =	simm.s32 $0xFA00;
	v3 =	vadd.s32 v1, v3  }
0x275: {  	[tilespmem:s17], [sflag:$0x1] =	stream.indirect_vreg.gather [hbm4b:s5+s3], $0x80, v4, vm0, $0xb8;
	[tilespmem:$0x18200] =	vst v63  }
0x276: {  	s12 =	simm.s32 $0x10200  }
0x277: {  	[tilespmem:s12], [sflag:$0x1] =	stream.indirect_vreg.gather [hbm4b:s6+s3], $0x80, v4, vm0, $0xb8;
	[tilespmem:$0x18200] =	vst v63  }
0x278: {  	s14 =	simm.s32 $0x10A00  }
0x279: {  	[tilespmem:s14], [sflag:$0x1] =	stream.indirect_vreg.gather [hbm4b:s1+s3], $0x80, v3, vm0, $0xb8;
	[tilespmem:$0x18200] =	vst v63  }
0x27a: {  	s15 =	simm.s32 $0x11200  }
0x27b: {  	[tilespmem:s15], [sflag:$0x1] =	stream.indirect_vreg.gather [hbm4b:s5+s3], $0x80, v3, vm0, $0xb8;
	[tilespmem:$0x18200] =	vst v63  }
0x27c: {  	s16 =	simm.s32 $0x11A00  }
0x27d: {  	[tilespmem:s16], [sflag:$0x1] =	stream.indirect_vreg.gather [hbm4b:s6+s3], $0x80, v3, vm0, $0xb8;
	[tilespmem:$0x18200] =	vst v63  }
0x27e: {  	v3 =	vld [tilespmem:$0x1E0];
	_ =	sdelay $0x4  }
0x27f: {  	v62 =	vshrl.u32 v3, $0x3  }
0x280: {  	v4 =	vmul.u32 $0x30, v62  }
0x281: {  	v3 =	vand.u32 $0x7, v3  }
0x282: {  	v3 =	vor.u32 v3, v4  }
0x283: {  	v4 =	vperm.xlane v3, v0;
	_ =	sdelay $0x1  }
0x284: {  	v4 =	vadd.s32 v1, v4;
	_ =	sdelay $0x3  }
0x285: {  	s17 =	simm.s32 $0x12200;
	v3 =	vperm.xlane v3, v2  }
0x286: {  	[tilespmem:s17], [sflag:$0x1] =	stream.indirect_vreg.gather [hbm4b:s1+s3], $0x80, v4, vm0, $0xb8;
	[tilespmem:$0x18200] =	vst v63  }
0x287: {  	s18 =	simm.s32 $0x12A00;
	v3 =	vadd.s32 v1, v3  }
0x288: {  	[tilespmem:s18], [sflag:$0x1] =	stream.indirect_vreg.gather [hbm4b:s5+s3], $0x80, v4, vm0, $0xb8;
	[tilespmem:$0x18200] =	vst v63  }
0x289: {  	s19 =	simm.s32 $0x13200  }
0x28a: {  	[tilespmem:s19], [sflag:$0x1] =	stream.indirect_vreg.gather [hbm4b:s6+s3], $0x80, v4, vm0, $0xb8;
	[tilespmem:$0x18200] =	vst v63  }
0x28b: {  	s20 =	simm.s32 $0x13A00  }
0x28c: {  	[tilespmem:s20], [sflag:$0x1] =	stream.indirect_vreg.gather [hbm4b:s1+s3], $0x80, v3, vm0, $0xb8;
	[tilespmem:$0x18200] =	vst v63  }
0x28d: {  	s21 =	simm.s32 $0x14200  }
0x28e: {  	[tilespmem:s21], [sflag:$0x1] =	stream.indirect_vreg.gather [hbm4b:s5+s3], $0x80, v3, vm0, $0xb8;
	[tilespmem:$0x18200] =	vst v63  }
0x28f: {  	s22 =	simm.s32 $0x14A00  }
0x290: {  	[tilespmem:s22], [sflag:$0x1] =	stream.indirect_vreg.gather [hbm4b:s6+s3], $0x80, v3, vm0, $0xb8;
	[tilespmem:$0x18200] =	vst v63  }
0x291: {  	v3 =	vld [tilespmem:$0x1F0];
	_ =	sdelay $0x4  }
0x292: {  	v63 =	vshrl.u32 v3, $0x3  }
0x293: {  	v4 =	vmul.u32 $0x30, v63  }
0x294: {  	v3 =	vand.u32 $0x7, v3  }
0x295: {  	v3 =	vor.u32 v3, v4  }
0x296: {  	v4 =	vperm.xlane v3, v0;
	_ =	sdelay $0x1  }
0x297: {  	v4 =	vadd.s32 v1, v4;
	_ =	sdelay $0x3  }
0x298: {  	s23 =	simm.s32 $0x15200;
	v3 =	vperm.xlane v3, v2  }
0x299: {  	[tilespmem:s23], [sflag:$0x1] =	stream.indirect_vreg.gather [hbm4b:s1+s3], $0x80, v4, vm0, $0xb8;
	[tilespmem:$0x18200] =	vst v63  }
0x29a: {  	s24 =	simm.s32 $0x15A00;
	v3 =	vadd.s32 v1, v3  }
0x29b: {  	[tilespmem:s24], [sflag:$0x1] =	stream.indirect_vreg.gather [hbm4b:s5+s3], $0x80, v4, vm0, $0xb8;
	[tilespmem:$0x18200] =	vst v63  }
0x29c: {  	s25 =	simm.s32 $0x16200  }
0x29d: {  	[tilespmem:s25], [sflag:$0x1] =	stream.indirect_vreg.gather [hbm4b:s6+s3], $0x80, v4, vm0, $0xb8;
	[tilespmem:$0x18200] =	vst v63  }
0x29e: {  	s26 =	simm.s32 $0x16A00  }
0x29f: {  	[tilespmem:s26], [sflag:$0x1] =	stream.indirect_vreg.gather [hbm4b:s1+s3], $0x80, v3, vm0, $0xb8;
	[tilespmem:$0x18200] =	vst v63  }
0x2a0: {  	s28 =	simm.s32 $0x17200  }
0x2a1: {  	[tilespmem:s28], [sflag:$0x1] =	stream.indirect_vreg.gather [hbm4b:s5+s3], $0x80, v3, vm0, $0xb8;
	[tilespmem:$0x18200] =	vst v63  }
0x2a2: {  	s29 =	simm.s32 $0x17A00  }
0x2a3: {  	[tilespmem:s29], [sflag:$0x1] =	stream.indirect_vreg.gather [hbm4b:s6+s3], $0x80, v3, vm0, $0xb8;
	[tilespmem:$0x18200] =	vst v63  }
0x2a4: {  	_ =	swait.ge [sflag:s2], $0xC000  }
0x2a5: {  	[sflag:s2] =	ssyncset.done $0x0  }
0x2a6: {  	s30 =	rddreg [dreg:$0xa];
	[sflag:s2] =	ssyncadd.s32 $0xFFFF4000  }
0x2a7: {  	[hbm4b:s30+s3] =	stream.linear.scatter [tilespmem:s8], [sflag:$0x2], $0xC000, $0x38;
	[tilespmem:$0x18200] =	vst v63  }
0x2a8: {  	_ =	swait.ge [sflag:s2], $0xC000  }
0x2a9: {  	[sflag:s2] =	ssyncset.done $0x0  }
0x2aa: {  	s31 =	rddreg [dreg:$0xb];
	[sflag:s2] =	ssyncadd.s32 $0xFFFF4000  }
0x2ab: {  	[hbm4b:s31+s3] =	stream.linear.scatter [tilespmem:s13], [sflag:$0x2], $0xC000, $0x38;
	[tilespmem:$0x18200] =	vst v63  }
0x2ac: {  	p0 =	sne.s32 s7, $0x1;
	_ =	swait.ge [sflag:s9], $0xC000  }
.Ltmp0:
0x2ad: {  	[sflag:s9] =	ssyncset.done $0x0;
	(pc) =	sbr.rel @p0 .LBB2_1-.Ltmp0, $4  }
0x2ae: {  	[sflag:s9] =	ssyncadd.s32 $0xFFFF4000  }
0x2af: {  	_ =	swait.ge [sflag:s9], $0xC000  }
0x2b0: {  	[sflag:s9] =	ssyncset.done $0x0  }
0x2b1: {  	s7 =	sadd.s32 $0xFFFFFFFF, s7;
	[sflag:s9] =	ssyncadd.s32 $0xFFFF4000  }
0x2b2: {  	_ =	sfence.sel $0x180000  }
0x2b3: {  	[bflag:$0x0] =	sbarrier.arrive $0xFFFF  }
0x2b4: {  	_ =	strace $0x90000047  }
0x2b5: {  	s0 =	stileid.u32;
	[bflag:$0x2] =	sbarrier.arrive $0xFFFF  }
0x2b6: {  	p0 =	sne.s32 s0, $0x0;
	s0 =	rddreg [dreg:$0x3]  }
0x2b7: {  	s0 =	sadd.s32 @!p0 $0x100000, s0  }
0x2b8: {  	[sflag:s0] =	ssyncadd.tile.s32 @!p0 $0x1;
	_ =	shalt  }
.Lfunc_end2:
_tile_overlayer_lowered:
.L_overlay_start_2:
0x2b9: {  	(tag) =	ssettag $0x2  }
0x2ba: {  	s0 =	rddreg [dreg:$0x0];
	s2 =	stileid.u32  }
0x2bb: {  	s1 =	rddreg [dreg:$0x1];
	p0 =	sne.s32 s2, $0x0  }
0x2bc: {  	s3 =	rddreg [dreg:$0x2];
	[bflag:$0x3] =	sbarrier.arrive $0xFFFF;
	s2 =	simm.s32 @!p0 $0x1C03  }
0x2bd: {  	[timem:s3], [sflag:s2] =	dma.local @!p0 [hbm:s0], s1  }
0x2be: {  	s0 =	simm.s32 @!p0 $0x3  }
0x2bf: {  	_ =	swait.ge @!p0 [sflag:s0], s1  }
0x2c0: {  	s1 =	ssub.s32 @!p0 $0x0, s1;
	[sflag:s0] =	ssyncset.done @!p0 $0x0  }
0x2c1: {  	[sflag:s0] =	ssyncadd.s32 @!p0 s1  }
0x2c2: {  	[bflag:$0x3] =	sbarrier.arrive $0xFFFF  }
0x2c3: {  	_ =	shalt  }

</sc_bundles>
